<compile_context>
chip_gen: v7x
topology: tpu7x:2x2x1
jax: 0.10.2.dev20260603
libtpu: 0.0.44.dev20260713+nightly
codegen_flags: <defaults>
</compile_context>

<pallas_src>
import jax
import jax.numpy as jnp
from jax.experimental import pallas as pl
from jax.experimental.pallas import tpu as pltpu

_TOPK = 6000
_OUT_K = 300
_IOU = 0.7
_B = 256
_N_PAD = 6144
_NB = _N_PAD // _B


def _nms_body(loc_ref, anc_ref, box_ref, keep_ref, area_ref):
    loc = loc_ref[...]
    anc = anc_ref[...]

    cx = loc[0:1] * 0.1 * anc[2:3] + anc[0:1]
    cy = loc[1:2] * 0.1 * anc[3:4] + anc[1:2]
    w = jnp.exp(loc[2:3] * 0.2) * anc[2:3]
    h = jnp.exp(loc[3:4] * 0.2) * anc[3:4]
    x0 = jnp.clip(cx - w / 2.0, 0.0, 1.0)
    y0 = jnp.clip(cy - h / 2.0, 0.0, 1.0)
    x1 = jnp.clip(cx + w / 2.0, 0.0, 1.0)
    y1 = jnp.clip(cy + h / 2.0, 0.0, 1.0)
    box_ref[...] = jnp.concatenate([x0, y0, x1, y1], axis=0)
    area_ref[...] = (x1 - x0) * (y1 - y0)
    keep_ref[...] = jnp.ones((1, _N_PAD), jnp.float32)

    row_i = jax.lax.broadcasted_iota(jnp.int32, (_B, _B), 0)
    col_j = jax.lax.broadcasted_iota(jnp.int32, (_B, _B), 1)
    tri = col_j > row_i

    def outer(k, carry):
        s = k * _B
        blk = box_ref[:, pl.ds(s, _B)]
        bx0, by0, bx1, by1 = blk[0:1], blk[1:2], blk[2:3], blk[3:4]
        bar = area_ref[0:1, pl.ds(s, _B)]
        bx0c = bx0.reshape(_B, 1)
        by0c = by0.reshape(_B, 1)
        bx1c = bx1.reshape(_B, 1)
        by1c = by1.reshape(_B, 1)
        barc = bar.reshape(_B, 1)

        iw = jnp.clip(jnp.minimum(bx1c, bx1) - jnp.maximum(bx0c, bx0), 0.0, None)
        ih = jnp.clip(jnp.minimum(by1c, by1) - jnp.maximum(by0c, by0), 0.0, None)
        inter = iw * ih
        iou = inter / jnp.maximum(bar + barc - inter, 1e-12)
        ms = jnp.where(tri & (iou > _IOU), 1.0, 0.0)

        init_kb = keep_ref[0:1, pl.ds(s, _B)]

        def jac_cond(state):
            return state[1]

        def jac_body(state):
            kb, _ = state
            sup = jnp.max(ms * kb.reshape(_B, 1), axis=0, keepdims=True)
            new = init_kb * (1.0 - sup)
            return new, jnp.any(new != kb)

        kb, _ = jax.lax.while_loop(jac_cond, jac_body, (init_kb, True))
        keep_ref[0:1, pl.ds(s, _B)] = kb
        kbc = kb.reshape(_B, 1)

        def cross(m, carry):
            t = m * _B
            mblk = box_ref[:, pl.ds(t, _B)]
            mar = area_ref[0:1, pl.ds(t, _B)]
            iw = jnp.clip(jnp.minimum(bx1c, mblk[2:3]) - jnp.maximum(bx0c, mblk[0:1]), 0.0, None)
            ih = jnp.clip(jnp.minimum(by1c, mblk[3:4]) - jnp.maximum(by0c, mblk[1:2]), 0.0, None)
            inter = iw * ih
            iou = inter / jnp.maximum(mar + barc - inter, 1e-12)
            sup = jnp.where(iou > _IOU, 1.0, 0.0) * kbc
            supc = jnp.max(sup, axis=0, keepdims=True)
            keep_ref[0:1, pl.ds(t, _B)] = keep_ref[0:1, pl.ds(t, _B)] * (1.0 - supc)
            return carry

        return jax.lax.fori_loop(k + 1, _NB, cross, carry)

    jax.lax.fori_loop(0, _NB, outer, 0)


_N_OBJ = 90000
_N_OBJ_PAD = 90112


def _bisect_body(obj_ref, thr_ref):
    bits = jax.lax.bitcast_convert_type(obj_ref[...], jnp.int32)

    def body(it, lohi):
        lo, hi = lohi
        mid = (lo + hi) // 2
        cnt = jnp.sum(jnp.where(bits >= mid, 1.0, 0.0))
        big = cnt >= _TOPK
        return jnp.where(big, mid, lo), jnp.where(big, hi, mid)

    lo, _ = jax.lax.fori_loop(
        0, 31, body, (jnp.int32(0), jnp.int32(0x3F800001))
    )
    thr_ref[...] = jnp.zeros((1, 128), jnp.int32) + lo


_bisect = pl.pallas_call(
    _bisect_body,
    out_shape=jax.ShapeDtypeStruct((1, 128), jnp.int32),
)


_nms = pl.pallas_call(
    _nms_body,
    out_shape=[
        jax.ShapeDtypeStruct((4, _N_PAD), jnp.float32),
        jax.ShapeDtypeStruct((1, _N_PAD), jnp.float32),
    ],
    scratch_shapes=[
        pltpu.VMEM((1, _N_PAD), jnp.float32),
    ],
)


@jax.jit
def kernel(pred_cls, pred_loc, anchor):
    pc = jnp.transpose(pred_cls, (0, 2, 3, 1)).reshape(-1, 2)
    obj = jax.nn.sigmoid(pc[:, 1])
    ploc = jnp.transpose(pred_loc, (0, 2, 3, 1)).reshape(-1, 4)
    objp = jnp.pad(obj, (0, _N_OBJ_PAD - _N_OBJ), constant_values=-1.0)
    thr_bits = _bisect(objp.reshape(704, 128))[0, 0]
    thr = jax.lax.bitcast_convert_type(thr_bits, jnp.float32)
    gt = obj > thr
    eq = obj == thr
    k_eq = _TOPK - jnp.sum(gt.astype(jnp.int32))
    sel = gt | (eq & (jnp.cumsum(eq.astype(jnp.int32)) <= k_eq))
    idxs = jnp.nonzero(sel, size=_TOPK, fill_value=0)[0]
    order = jnp.argsort(-obj[idxs], stable=True)
    top = idxs[order]
    loc_top = jnp.take(ploc, top, axis=0)
    anc_top = jnp.take(anchor, top, axis=0)
    pad = ((0, _N_PAD - _TOPK), (0, 0))
    boxes_t, keep = _nms(jnp.pad(loc_top, pad).T, jnp.pad(anc_top, pad).T)
    keepb = keep[0, :_TOPK] > 0.5
    kidx = jnp.nonzero(keepb, size=_OUT_K, fill_value=-1)[0]
    valid = kidx >= 0
    gathered = boxes_t.T[jnp.clip(kidx, 0, _TOPK - 1)]
    return jnp.where(valid[:, None], gathered, 0.0)

# --- scband reference (transcript-rebuilt; emitter-appended) ---
"""Pipeline reference for scband-region-proposal-5291399708892 (READ-ONLY COPY).

The authoritative reference and input builder live on the scoring server;
editing this copy changes nothing except your own understanding.
"""

import jax, jax.numpy as jnp
import numpy as np

PRE_NMS_TOP_K = 6000
POST_NMS_TOP_K = 300
IOU_THR = 0.7


def decode(loc, anchors):
    # SSD-style decode with variances (0.1, 0.2); anchors are (cx, cy, w, h)
    cxcy = loc[:, :2] * 0.1 * anchors[:, 2:] + anchors[:, :2]
    wh = jnp.exp(loc[:, 2:] * 0.2) * anchors[:, 2:]
    return jnp.concatenate([cxcy, wh], axis=1)


def cxcy_to_xy(cxcy):
    return jnp.concatenate([cxcy[:, :2] - cxcy[:, 2:] / 2.0,
                            cxcy[:, :2] + cxcy[:, 2:] / 2.0], axis=1)


def nms_keep(boxes, iou_threshold):
    # greedy NMS over score-sorted boxes (torchvision.ops.nms semantics)
    boxes = jax.lax.stop_gradient(boxes)
    n = boxes.shape[0]
    area = (boxes[:, 2] - boxes[:, 0]) * (boxes[:, 3] - boxes[:, 1])
    idx = jnp.arange(n)

    def body(i, keep):
        box_i = boxes[i]
        lt = jnp.maximum(box_i[:2], boxes[:, :2])
        rb = jnp.minimum(box_i[2:], boxes[:, 2:])
        wh = jnp.clip(rb - lt, 0.0, None)
        inter = wh[:, 0] * wh[:, 1]
        area_i = (box_i[2] - box_i[0]) * (box_i[3] - box_i[1])
        iou = inter / jnp.maximum(area + area_i - inter, 1e-12)
        suppress = (iou > iou_threshold) & (idx > i) & keep[i]
        return keep & (~suppress)

    return jax.lax.fori_loop(0, n, body, jnp.ones((n,), dtype=bool))


def setup_inputs(seed: int = 0) -> dict:
    key = jax.random.key(seed)
    k1, k2, k3 = jax.random.split(key, 3)
    pred_cls = jax.random.normal(k1, (1, 18, 100, 100), dtype=jnp.float32)
    pred_loc = jax.random.normal(k2, (1, 36, 100, 100), dtype=jnp.float32)
    anchor = jax.random.uniform(k3, (90000, 4), dtype=jnp.float32)
    return {"pred_cls": pred_cls, "pred_loc": pred_loc, "anchor": anchor}


def reference(pred_cls, pred_loc, anchor):
    batch_size = pred_cls.shape[0]
    pc = jnp.transpose(pred_cls, (0, 2, 3, 1)).reshape(batch_size, -1, 2)
    pl = jnp.transpose(pred_loc, (0, 2, 3, 1)).reshape(batch_size, -1, 4)
    # batch_size == 1 (module relies on .squeeze())
    pl0 = pl[0]
    pc0 = pc[0]
    roi = jnp.clip(cxcy_to_xy(decode(pl0, anchor)), 0.0, 1.0)
    pred_scores = jax.nn.sigmoid(pc0)
    obj = pred_scores[:, 1]
    order = jnp.argsort(-obj)
    top = order[:PRE_NMS_TOP_K]
    roi_top = roi[top]
    keep = nms_keep(roi_top, IOU_THR)
    kidx = jnp.nonzero(keep, size=POST_NMS_TOP_K, fill_value=-1)[0]
    valid = kidx >= 0
    gathered = roi_top[jnp.clip(kidx, 0, PRE_NMS_TOP_K - 1)]
    out = jnp.where(valid[:, None], gathered, 0.0)
    return out

if __name__ == "__main__":
    import jax
    _d = setup_inputs()
    print(jax.jit(kernel)(*tuple(_d.values())))

</pallas_src>

<mosaic_0001>
module attributes {stable_mosaic.version = 14 : i64} {
  func.func @_bisect_body(%arg0: memref<704x128xf32, #tpu.memory_space<vmem>>, %arg1: memref<1x128xi32, #tpu.memory_space<vmem>>) attributes {dimension_semantics = [], scalar_prefetch = 0 : i64, scratch_operands = 0 : i64, tpu.core_type = #tpu.core_type<tc>} {
    %get3A = arith.constant 0 : index
    %get3A_0 = arith.constant 0 : index
    %get3A_1 = vector.load %arg0[%get3A, %get3A_0] : memref<704x128xf32, #tpu.memory_space<vmem>>, vector<704x128xf32>
    %bitcast_convert_type3A = tpu.bitcast %get3A_1 : vector<704x128xf32> -> vector<704x128xi32>
    %scan3A = arith.constant 0 : i32
    %scan3A_2 = arith.constant 1065353217 : i32
    %scan3A_3 = arith.constant 0 : i32
    %scan3A_4 = arith.constant 31 : i32
    %scan3A_5 = arith.addi %scan3A_3, %scan3A_4 : i32
    %scan3A_6 = arith.constant 1 : i32
    %scan3A_7:2 = scf.for %scan3A_12 = %scan3A_3 to %scan3A_5 step %scan3A_6 iter_args(%scan3A_13 = %scan3A, %scan3A_14 = %scan3A_2) -> (i32, i32)  : i32 {
      %add3A_15 = arith.addi %scan3A_13, %scan3A_14 : i32
      %jit3A = arith.constant 2 : i32
      %div3A = arith.divsi %add3A_15, %jit3A : i32
      %sign3A = arith.constant 0 : i32
      %sign3A_16 = arith.cmpi sgt, %add3A_15, %sign3A : i32
      %sign3A_17 = arith.extui %sign3A_16 : i1 to i32
      %sign3A_18 = arith.constant 0 : i32
      %sign3A_19 = arith.cmpi slt, %add3A_15, %sign3A_18 : i32
      %sign3A_20 = arith.extui %sign3A_19 : i1 to i32
      %sign3A_21 = arith.subi %sign3A_17, %sign3A_20 : i32
      %sign3A_22 = arith.constant 0 : i32
      %sign3A_23 = arith.cmpi sgt, %jit3A, %sign3A_22 : i32
      %sign3A_24 = arith.extui %sign3A_23 : i1 to i32
      %sign3A_25 = arith.constant 0 : i32
      %sign3A_26 = arith.cmpi slt, %jit3A, %sign3A_25 : i32
      %sign3A_27 = arith.extui %sign3A_26 : i1 to i32
      %sign3A_28 = arith.subi %sign3A_24, %sign3A_27 : i32
      %ne3A = arith.cmpi ne, %sign3A_21, %sign3A_28 : i32
      %rem3A = arith.remsi %add3A_15, %jit3A : i32
      %ne3A_29 = arith.constant 0 : i32
      %ne3A_30 = arith.cmpi ne, %rem3A, %ne3A_29 : i32
      %and3A = arith.andi %ne3A, %ne3A_30 : i1
      %sub3A = arith.constant 1 : i32
      %sub3A_31 = arith.subi %div3A, %sub3A : i32
      %select_n3A = arith.select %and3A, %sub3A_31, %div3A : i32
      %ge3A = vector.broadcast %select_n3A : i32 to vector<704x128xi32>
      %ge3A_32 = arith.cmpi sge, %bitcast_convert_type3A, %ge3A : vector<704x128xi32>
      %jit3A_33 = arith.constant 1.000000e+00 : f32
      %jit3A_34 = arith.constant 0.000000e+00 : f32
      %broadcast_in_dim3A_35 = vector.broadcast %jit3A_33 : f32 to vector<704x128xf32>
      %broadcast_in_dim3A_36 = vector.broadcast %jit3A_34 : f32 to vector<704x128xf32>
      %select_n3A_37 = arith.select %ge3A_32, %broadcast_in_dim3A_35, %broadcast_in_dim3A_36 : vector<704x128xi1>, vector<704x128xf32>
      %reduce_sum3A = vector.shape_cast %select_n3A_37 : vector<704x128xf32> to vector<1x704x128xf32>
      %reduce_sum3A_38 = arith.constant dense<0.000000e+00> : vector<1xf32>
      %reduce_sum3A_39 = vector.multi_reduction <add>, %reduce_sum3A, %reduce_sum3A_38 [1, 2] : vector<1x704x128xf32> to vector<1xf32>
      %reduce_sum3A_40 = vector.shape_cast %reduce_sum3A_39 : vector<1xf32> to vector<1x1x1xf32>
      %reduce_sum3A_41 = vector.extract %reduce_sum3A_40[0, 0, 0] : f32 from vector<1x1x1xf32>
      %ge3A_42 = arith.constant 6.000000e+03 : f32
      %ge3A_43 = arith.cmpf oge, %reduce_sum3A_41, %ge3A_42 : f32
      %select_n3A_44 = arith.select %ge3A_43, %select_n3A, %scan3A_13 : i32
      %select_n3A_45 = arith.select %ge3A_43, %scan3A_14, %select_n3A : i32
      scf.yield %select_n3A_44, %select_n3A_45 : i32, i32
    }
    %broadcast_in_dim3A = arith.constant 0 : i32
    %broadcast_in_dim3A_8 = vector.broadcast %broadcast_in_dim3A : i32 to vector<1x128xi32>
    %add3A = vector.broadcast %scan3A_7#0 : i32 to vector<1x128xi32>
    %add3A_9 = arith.addi %broadcast_in_dim3A_8, %add3A : vector<1x128xi32>
    %swap3A = arith.constant 0 : index
    %swap3A_10 = arith.constant 0 : index
    %swap3A_11 = vector.load %arg1[%swap3A, %swap3A_10] : memref<1x128xi32, #tpu.memory_space<vmem>>, vector<1x128xi32>
    tpu.vector_store %arg1[%swap3A, %swap3A_10], %add3A_9 {strides = array<i32>} : memref<1x128xi32, #tpu.memory_space<vmem>>, vector<1x128xi32>,
    return
  }
}

module attributes {stable_mosaic.version = 14 : i64} {
  func.func @_nms_body(%arg0: memref<4x6144xf32, #tpu.memory_space<vmem>>, %arg1: memref<4x6144xf32, #tpu.memory_space<vmem>>, %arg2: memref<4x6144xf32, #tpu.memory_space<vmem>>, %arg3: memref<1x6144xf32, #tpu.memory_space<vmem>>, %arg4: memref<1x6144xf32, #tpu.memory_space<vmem>>) attributes {dimension_semantics = [], scalar_prefetch = 0 : i64, scratch_operands = 1 : i64, tpu.core_type = #tpu.core_type<tc>} {
    %get3A = arith.constant 0 : index
    %get3A_0 = arith.constant 0 : index
    %get3A_1 = vector.load %arg0[%get3A, %get3A_0] : memref<4x6144xf32, #tpu.memory_space<vmem>>, vector<4x6144xf32>
    %get3A_2 = arith.constant 0 : index
    %get3A_3 = arith.constant 0 : index
    %get3A_4 = vector.load %arg1[%get3A_2, %get3A_3] : memref<4x6144xf32, #tpu.memory_space<vmem>>, vector<4x6144xf32>
    %slice3A = vector.extract_strided_slice %get3A_1 {offsets = [0, 0], sizes = [1, 6144], strides = [1, 1]} : vector<4x6144xf32> to vector<1x6144xf32>
    %mul3A = arith.constant 1.000000e-01 : f32
    %mul3A_5 = vector.broadcast %mul3A : f32 to vector<1x6144xf32>
    %mul3A_6 = arith.mulf %slice3A, %mul3A_5 : vector<1x6144xf32>
    %slice3A_7 = vector.extract_strided_slice %get3A_4 {offsets = [2, 0], sizes = [1, 6144], strides = [1, 1]} : vector<4x6144xf32> to vector<1x6144xf32>
    %mul3A_8 = arith.mulf %mul3A_6, %slice3A_7 : vector<1x6144xf32>
    %slice3A_9 = vector.extract_strided_slice %get3A_4 {offsets = [0, 0], sizes = [1, 6144], strides = [1, 1]} : vector<4x6144xf32> to vector<1x6144xf32>
    %add3A = arith.addf %mul3A_8, %slice3A_9 : vector<1x6144xf32>
    %slice3A_10 = vector.extract_strided_slice %get3A_1 {offsets = [1, 0], sizes = [1, 6144], strides = [1, 1]} : vector<4x6144xf32> to vector<1x6144xf32>
    %mul3A_11 = arith.constant 1.000000e-01 : f32
    %mul3A_12 = vector.broadcast %mul3A_11 : f32 to vector<1x6144xf32>
    %mul3A_13 = arith.mulf %slice3A_10, %mul3A_12 : vector<1x6144xf32>
    %slice3A_14 = vector.extract_strided_slice %get3A_4 {offsets = [3, 0], sizes = [1, 6144], strides = [1, 1]} : vector<4x6144xf32> to vector<1x6144xf32>
    %mul3A_15 = arith.mulf %mul3A_13, %slice3A_14 : vector<1x6144xf32>
    %slice3A_16 = vector.extract_strided_slice %get3A_4 {offsets = [1, 0], sizes = [1, 6144], strides = [1, 1]} : vector<4x6144xf32> to vector<1x6144xf32>
    %add3A_17 = arith.addf %mul3A_15, %slice3A_16 : vector<1x6144xf32>
    %slice3A_18 = vector.extract_strided_slice %get3A_1 {offsets = [2, 0], sizes = [1, 6144], strides = [1, 1]} : vector<4x6144xf32> to vector<1x6144xf32>
    %mul3A_19 = arith.constant 2.000000e-01 : f32
    %mul3A_20 = vector.broadcast %mul3A_19 : f32 to vector<1x6144xf32>
    %mul3A_21 = arith.mulf %slice3A_18, %mul3A_20 : vector<1x6144xf32>
    %exp3A = math.exp %mul3A_21 : vector<1x6144xf32>
    %slice3A_22 = vector.extract_strided_slice %get3A_4 {offsets = [2, 0], sizes = [1, 6144], strides = [1, 1]} : vector<4x6144xf32> to vector<1x6144xf32>
    %mul3A_23 = arith.mulf %exp3A, %slice3A_22 : vector<1x6144xf32>
    %slice3A_24 = vector.extract_strided_slice %get3A_1 {offsets = [3, 0], sizes = [1, 6144], strides = [1, 1]} : vector<4x6144xf32> to vector<1x6144xf32>
    %mul3A_25 = arith.constant 2.000000e-01 : f32
    %mul3A_26 = vector.broadcast %mul3A_25 : f32 to vector<1x6144xf32>
    %mul3A_27 = arith.mulf %slice3A_24, %mul3A_26 : vector<1x6144xf32>
    %exp3A_28 = math.exp %mul3A_27 : vector<1x6144xf32>
    %slice3A_29 = vector.extract_strided_slice %get3A_4 {offsets = [3, 0], sizes = [1, 6144], strides = [1, 1]} : vector<4x6144xf32> to vector<1x6144xf32>
    %mul3A_30 = arith.mulf %exp3A_28, %slice3A_29 : vector<1x6144xf32>
    %div3A = arith.constant 2.000000e+00 : f32
    %div3A_31 = vector.broadcast %div3A : f32 to vector<1x6144xf32>
    %div3A_32 = arith.divf %mul3A_23, %div3A_31 : vector<1x6144xf32>
    %sub3A = arith.subf %add3A, %div3A_32 : vector<1x6144xf32>
    %jit3A = arith.constant 0.000000e+00 : f32
    %jit3A_33 = arith.constant 1.000000e+00 : f32
    %max3A = vector.broadcast %jit3A : f32 to vector<1x6144xf32>
    %max3A_34 = arith.maximumf %max3A, %sub3A : vector<1x6144xf32>
    %min3A = vector.broadcast %jit3A_33 : f32 to vector<1x6144xf32>
    %min3A_35 = arith.minimumf %min3A, %max3A_34 : vector<1x6144xf32>
    %div3A_36 = arith.constant 2.000000e+00 : f32
    %div3A_37 = vector.broadcast %div3A_36 : f32 to vector<1x6144xf32>
    %div3A_38 = arith.divf %mul3A_30, %div3A_37 : vector<1x6144xf32>
    %sub3A_39 = arith.subf %add3A_17, %div3A_38 : vector<1x6144xf32>
    %jit3A_40 = arith.constant 0.000000e+00 : f32
    %jit3A_41 = arith.constant 1.000000e+00 : f32
    %max3A_42 = vector.broadcast %jit3A_40 : f32 to vector<1x6144xf32>
    %max3A_43 = arith.maximumf %max3A_42, %sub3A_39 : vector<1x6144xf32>
    %min3A_44 = vector.broadcast %jit3A_41 : f32 to vector<1x6144xf32>
    %min3A_45 = arith.minimumf %min3A_44, %max3A_43 : vector<1x6144xf32>
    %div3A_46 = arith.constant 2.000000e+00 : f32
    %div3A_47 = vector.broadcast %div3A_46 : f32 to vector<1x6144xf32>
    %div3A_48 = arith.divf %mul3A_23, %div3A_47 : vector<1x6144xf32>
    %add3A_49 = arith.addf %add3A, %div3A_48 : vector<1x6144xf32>
    %jit3A_50 = arith.constant 0.000000e+00 : f32
    %jit3A_51 = arith.constant 1.000000e+00 : f32
    %max3A_52 = vector.broadcast %jit3A_50 : f32 to vector<1x6144xf32>
    %max3A_53 = arith.maximumf %max3A_52, %add3A_49 : vector<1x6144xf32>
    %min3A_54 = vector.broadcast %jit3A_51 : f32 to vector<1x6144xf32>
    %min3A_55 = arith.minimumf %min3A_54, %max3A_53 : vector<1x6144xf32>
    %div3A_56 = arith.constant 2.000000e+00 : f32
    %div3A_57 = vector.broadcast %div3A_56 : f32 to vector<1x6144xf32>
    %div3A_58 = arith.divf %mul3A_30, %div3A_57 : vector<1x6144xf32>
    %add3A_59 = arith.addf %add3A_17, %div3A_58 : vector<1x6144xf32>
    %jit3A_60 = arith.constant 0.000000e+00 : f32
    %jit3A_61 = arith.constant 1.000000e+00 : f32
    %max3A_62 = vector.broadcast %jit3A_60 : f32 to vector<1x6144xf32>
    %max3A_63 = arith.maximumf %max3A_62, %add3A_59 : vector<1x6144xf32>
    %min3A_64 = vector.broadcast %jit3A_61 : f32 to vector<1x6144xf32>
    %min3A_65 = arith.minimumf %min3A_64, %max3A_63 : vector<1x6144xf32>
    %concatenate3A = tpu.concatenate %min3A_35, %min3A_45, %min3A_55, %min3A_65 in 0 : vector<1x6144xf32>, vector<1x6144xf32>, vector<1x6144xf32>, vector<1x6144xf32> -> vector<4x6144xf32>
    %swap3A = arith.constant 0 : index
    %swap3A_66 = arith.constant 0 : index
    %swap3A_67 = vector.load %arg2[%swap3A, %swap3A_66] : memref<4x6144xf32, #tpu.memory_space<vmem>>, vector<4x6144xf32>
    tpu.vector_store %arg2[%swap3A, %swap3A_66], %concatenate3A {strides = array<i32>} : memref<4x6144xf32, #tpu.memory_space<vmem>>, vector<4x6144xf32>,
    %sub3A_68 = arith.subf %min3A_55, %min3A_35 : vector<1x6144xf32>
    %sub3A_69 = arith.subf %min3A_65, %min3A_45 : vector<1x6144xf32>
    %mul3A_70 = arith.mulf %sub3A_68, %sub3A_69 : vector<1x6144xf32>
    %swap3A_71 = arith.constant 0 : index
    %swap3A_72 = arith.constant 0 : index
    %swap3A_73 = vector.load %arg4[%swap3A_71, %swap3A_72] : memref<1x6144xf32, #tpu.memory_space<vmem>>, vector<1x6144xf32>
    tpu.vector_store %arg4[%swap3A_71, %swap3A_72], %mul3A_70 {strides = array<i32>} : memref<1x6144xf32, #tpu.memory_space<vmem>>, vector<1x6144xf32>,
    %broadcast_in_dim3A = arith.constant 1.000000e+00 : f32
    %broadcast_in_dim3A_74 = vector.broadcast %broadcast_in_dim3A : f32 to vector<1x6144xf32>
    %swap3A_75 = arith.constant 0 : index
    %swap3A_76 = arith.constant 0 : index
    %swap3A_77 = vector.load %arg3[%swap3A_75, %swap3A_76] : memref<1x6144xf32, #tpu.memory_space<vmem>>, vector<1x6144xf32>
    tpu.vector_store %arg3[%swap3A_75, %swap3A_76], %broadcast_in_dim3A_74 {strides = array<i32>} : memref<1x6144xf32, #tpu.memory_space<vmem>>, vector<1x6144xf32>,
    %iota3A = tpu.iota {dimensions = array<i32: 0>} : vector<256x256xi32>
    %iota3A_78 = tpu.iota {dimensions = array<i32: 1>} : vector<256x256xi32>
    %gt3A = arith.cmpi sgt, %iota3A_78, %iota3A : vector<256x256xi32>
    %scan3A = arith.constant 0 : i32
    %scan3A_79 = arith.constant 0 : i32
    %scan3A_80 = arith.constant 24 : i32
    %scan3A_81 = arith.addi %scan3A_79, %scan3A_80 : i32
    %scan3A_82 = arith.constant 1 : i32
    scf.for %scan3A_84 = %scan3A_79 to %scan3A_81 step %scan3A_82  : i32 {
      %mul3A_85 = arith.constant 256 : i32
      %mul3A_86 = arith.muli %scan3A_84, %mul3A_85 : i32
      %get3A_87 = arith.constant 0 : index
      %get3A_88 = arith.index_cast %mul3A_86 : i32 to index
      %get3A_89 = vector.load %arg2[%get3A_87, %get3A_88] : memref<4x6144xf32, #tpu.memory_space<vmem>>, vector<4x256xf32>
      %slice3A_90 = vector.extract_strided_slice %get3A_89 {offsets = [0, 0], sizes = [1, 256], strides = [1, 1]} : vector<4x256xf32> to vector<1x256xf32>
      %slice3A_91 = vector.extract_strided_slice %get3A_89 {offsets = [1, 0], sizes = [1, 256], strides = [1, 1]} : vector<4x256xf32> to vector<1x256xf32>
      %slice3A_92 = vector.extract_strided_slice %get3A_89 {offsets = [2, 0], sizes = [1, 256], strides = [1, 1]} : vector<4x256xf32> to vector<1x256xf32>
      %slice3A_93 = vector.extract_strided_slice %get3A_89 {offsets = [3, 0], sizes = [1, 256], strides = [1, 1]} : vector<4x256xf32> to vector<1x256xf32>
      %get3A_94 = arith.constant 0 : index
      %get3A_95 = arith.index_cast %mul3A_86 : i32 to index
      %get3A_96 = vector.load %arg4[%get3A_94, %get3A_95] : memref<1x6144xf32, #tpu.memory_space<vmem>>, vector<1x256xf32>
      %reshape3A = vector.shape_cast %slice3A_90 : vector<1x256xf32> to vector<256x1xf32>
      %reshape3A_97 = vector.shape_cast %slice3A_91 : vector<1x256xf32> to vector<256x1xf32>
      %reshape3A_98 = vector.shape_cast %slice3A_92 : vector<1x256xf32> to vector<256x1xf32>
      %reshape3A_99 = vector.shape_cast %slice3A_93 : vector<1x256xf32> to vector<256x1xf32>
      %reshape3A_100 = vector.shape_cast %get3A_96 : vector<1x256xf32> to vector<256x1xf32>
      %min3A_101 = vector.broadcast %reshape3A_98 : vector<256x1xf32> to vector<256x256xf32>
      %min3A_102 = vector.broadcast %slice3A_92 : vector<1x256xf32> to vector<256x256xf32>
      %min3A_103 = arith.minimumf %min3A_101, %min3A_102 : vector<256x256xf32>
      %max3A_104 = vector.broadcast %reshape3A : vector<256x1xf32> to vector<256x256xf32>
      %max3A_105 = vector.broadcast %slice3A_90 : vector<1x256xf32> to vector<256x256xf32>
      %max3A_106 = arith.maximumf %max3A_104, %max3A_105 : vector<256x256xf32>
      %sub3A_107 = arith.subf %min3A_103, %max3A_106 : vector<256x256xf32>
      %jit3A_108 = arith.constant 0.000000e+00 : f32
      %max3A_109 = vector.broadcast %jit3A_108 : f32 to vector<256x256xf32>
      %max3A_110 = arith.maximumf %max3A_109, %sub3A_107 : vector<256x256xf32>
      %min3A_111 = vector.broadcast %reshape3A_99 : vector<256x1xf32> to vector<256x256xf32>
      %min3A_112 = vector.broadcast %slice3A_93 : vector<1x256xf32> to vector<256x256xf32>
      %min3A_113 = arith.minimumf %min3A_111, %min3A_112 : vector<256x256xf32>
      %max3A_114 = vector.broadcast %reshape3A_97 : vector<256x1xf32> to vector<256x256xf32>
      %max3A_115 = vector.broadcast %slice3A_91 : vector<1x256xf32> to vector<256x256xf32>
      %max3A_116 = arith.maximumf %max3A_114, %max3A_115 : vector<256x256xf32>
      %sub3A_117 = arith.subf %min3A_113, %max3A_116 : vector<256x256xf32>
      %jit3A_118 = arith.constant 0.000000e+00 : f32
      %max3A_119 = vector.broadcast %jit3A_118 : f32 to vector<256x256xf32>
      %max3A_120 = arith.maximumf %max3A_119, %sub3A_117 : vector<256x256xf32>
      %mul3A_121 = arith.mulf %max3A_110, %max3A_120 : vector<256x256xf32>
      %add3A_122 = vector.broadcast %get3A_96 : vector<1x256xf32> to vector<256x256xf32>
      %add3A_123 = vector.broadcast %reshape3A_100 : vector<256x1xf32> to vector<256x256xf32>
      %add3A_124 = arith.addf %add3A_122, %add3A_123 : vector<256x256xf32>
      %sub3A_125 = arith.subf %add3A_124, %mul3A_121 : vector<256x256xf32>
      %max3A_126 = arith.constant 9.99999996E-13 : f32
      %max3A_127 = vector.broadcast %max3A_126 : f32 to vector<256x256xf32>
      %max3A_128 = arith.maximumf %sub3A_125, %max3A_127 : vector<256x256xf32>
      %div3A_129 = arith.divf %mul3A_121, %max3A_128 : vector<256x256xf32>
      %gt3A_130 = arith.constant 0.699999988 : f32
      %gt3A_131 = vector.broadcast %gt3A_130 : f32 to vector<256x256xf32>
      %gt3A_132 = arith.cmpf ogt, %div3A_129, %gt3A_131 : vector<256x256xf32>
      %and3A = arith.andi %gt3A, %gt3A_132 : vector<256x256xi1>
      %jit3A_133 = arith.constant 1.000000e+00 : f32
      %jit3A_134 = arith.constant 0.000000e+00 : f32
      %broadcast_in_dim3A_135 = vector.broadcast %jit3A_133 : f32 to vector<256x256xf32>
      %broadcast_in_dim3A_136 = vector.broadcast %jit3A_134 : f32 to vector<256x256xf32>
      %select_n3A = arith.select %and3A, %broadcast_in_dim3A_135, %broadcast_in_dim3A_136 : vector<256x256xi1>, vector<256x256xf32>
      %get3A_137 = arith.constant 0 : index
      %get3A_138 = arith.index_cast %mul3A_86 : i32 to index
      %get3A_139 = vector.load %arg3[%get3A_137, %get3A_138] : memref<1x6144xf32, #tpu.memory_space<vmem>>, vector<1x256xf32>
      %while3A = arith.constant true
      %while3A_140:2 = scf.while (%while3A_156 = %get3A_139, %while3A_157 = %while3A) : (vector<1x256xf32>, i1) -> (vector<1x256xf32>, i1) {
        scf.condition(%while3A_157) %while3A_156, %while3A_157 : vector<1x256xf32>, i1
      } do {
      ^bb0(%while3A_156: vector<1x256xf32>, %while3A_157: i1):
        %reshape3A_158 = vector.shape_cast %while3A_156 : vector<1x256xf32> to vector<256x1xf32>
        %mul3A_159 = vector.broadcast %reshape3A_158 : vector<256x1xf32> to vector<256x256xf32>
        %mul3A_160 = arith.mulf %select_n3A, %mul3A_159 : vector<256x256xf32>
        %reduce_max3A = arith.constant dense<0xFF800000> : vector<256xf32>
        %reduce_max3A_161 = vector.multi_reduction <maximumf>, %mul3A_160, %reduce_max3A [0] : vector<256x256xf32> to vector<256xf32>
        %broadcast_in_dim3A_162 = vector.shape_cast %reduce_max3A_161 : vector<256xf32> to vector<1x256xf32>
        %sub3A_163 = arith.constant 1.000000e+00 : f32
        %sub3A_164 = vector.broadcast %sub3A_163 : f32 to vector<1x256xf32>
        %sub3A_165 = arith.subf %sub3A_164, %broadcast_in_dim3A_162 : vector<1x256xf32>
        %mul3A_166 = arith.mulf %get3A_139, %sub3A_165 : vector<1x256xf32>
        %ne3A = arith.cmpf one, %mul3A_166, %while3A_156 : vector<1x256xf32>
        %reduce_or3A = arith.constant 1.000000e+00 : f32
        %reduce_or3A_167 = arith.constant 0.000000e+00 : f32
        %reduce_or3A_168 = vector.broadcast %reduce_or3A : f32 to vector<1x256xf32>
        %reduce_or3A_169 = vector.broadcast %reduce_or3A_167 : f32 to vector<1x256xf32>
        %reduce_or3A_170 = arith.select %ne3A, %reduce_or3A_168, %reduce_or3A_169 : vector<1x256xi1>, vector<1x256xf32>
        %reduce_or3A_171 = vector.shape_cast %reduce_or3A_170 : vector<1x256xf32> to vector<1x1x256xf32>
        %reduce_or3A_172 = arith.constant dense<0xFF800000> : vector<1xf32>
        %reduce_or3A_173 = vector.multi_reduction <maximumf>, %reduce_or3A_171, %reduce_or3A_172 [1, 2] : vector<1x1x256xf32> to vector<1xf32>
        %reduce_or3A_174 = vector.shape_cast %reduce_or3A_173 : vector<1xf32> to vector<1x1x1xf32>
        %reduce_or3A_175 = vector.extract %reduce_or3A_174[0, 0, 0] : f32 from vector<1x1x1xf32>
        %reduce_or3A_176 = arith.constant 0.000000e+00 : f32
        %reduce_or3A_177 = arith.cmpf ogt, %reduce_or3A_175, %reduce_or3A_176 : f32
        scf.yield %mul3A_166, %reduce_or3A_177 : vector<1x256xf32>, i1
      }
      %swap3A_141 = arith.constant 0 : index
      %swap3A_142 = arith.index_cast %mul3A_86 : i32 to index
      %swap3A_143 = vector.load %arg3[%swap3A_141, %swap3A_142] : memref<1x6144xf32, #tpu.memory_space<vmem>>, vector<1x256xf32>
      tpu.vector_store %arg3[%swap3A_141, %swap3A_142], %while3A_140#0 {strides = array<i32>} : memref<1x6144xf32, #tpu.memory_space<vmem>>, vector<1x256xf32>,
      %reshape3A_144 = vector.shape_cast %while3A_140#0 : vector<1x256xf32> to vector<256x1xf32>
      %add3A_145 = arith.constant 1 : i32
      %add3A_146 = arith.addi %scan3A_84, %add3A_145 : i32
      %while3A_147 = arith.constant 24 : i32
      %while3A_148 = arith.subi %while3A_147, %add3A_146 : i32
      %while3A_149 = arith.addi %add3A_146, %while3A_148 : i32
      %while3A_150 = arith.constant 1 : i32
      %while3A_151 = arith.divsi %while3A_148, %while3A_150 : i32
      %while3A_152 = arith.muli %while3A_151, %while3A_150 : i32
      %while3A_153 = arith.addi %add3A_146, %while3A_152 : i32
      %while3A_154 = arith.constant 1 : i32
      scf.for %while3A_156 = %add3A_146 to %while3A_153 step %while3A_154  : i32 {
        %mul3A_157 = arith.constant 256 : i32
        %mul3A_158 = arith.muli %while3A_156, %mul3A_157 : i32
        %get3A_159 = arith.constant 0 : index
        %get3A_160 = arith.index_cast %mul3A_158 : i32 to index
        %get3A_161 = vector.load %arg2[%get3A_159, %get3A_160] : memref<4x6144xf32, #tpu.memory_space<vmem>>, vector<4x256xf32>
        %get3A_162 = arith.constant 0 : index
        %get3A_163 = arith.index_cast %mul3A_158 : i32 to index
        %get3A_164 = vector.load %arg4[%get3A_162, %get3A_163] : memref<1x6144xf32, #tpu.memory_space<vmem>>, vector<1x256xf32>
        %slice3A_165 = vector.extract_strided_slice %get3A_161 {offsets = [2, 0], sizes = [1, 256], strides = [1, 1]} : vector<4x256xf32> to vector<1x256xf32>
        %min3A_166 = vector.broadcast %reshape3A_98 : vector<256x1xf32> to vector<256x256xf32>
        %min3A_167 = vector.broadcast %slice3A_165 : vector<1x256xf32> to vector<256x256xf32>
        %min3A_168 = arith.minimumf %min3A_166, %min3A_167 : vector<256x256xf32>
        %slice3A_169 = vector.extract_strided_slice %get3A_161 {offsets = [0, 0], sizes = [1, 256], strides = [1, 1]} : vector<4x256xf32> to vector<1x256xf32>
        %max3A_170 = vector.broadcast %reshape3A : vector<256x1xf32> to vector<256x256xf32>
        %max3A_171 = vector.broadcast %slice3A_169 : vector<1x256xf32> to vector<256x256xf32>
        %max3A_172 = arith.maximumf %max3A_170, %max3A_171 : vector<256x256xf32>
        %sub3A_173 = arith.subf %min3A_168, %max3A_172 : vector<256x256xf32>
        %jit3A_174 = arith.constant 0.000000e+00 : f32
        %max3A_175 = vector.broadcast %jit3A_174 : f32 to vector<256x256xf32>
        %max3A_176 = arith.maximumf %max3A_175, %sub3A_173 : vector<256x256xf32>
        %slice3A_177 = vector.extract_strided_slice %get3A_161 {offsets = [3, 0], sizes = [1, 256], strides = [1, 1]} : vector<4x256xf32> to vector<1x256xf32>
        %min3A_178 = vector.broadcast %reshape3A_99 : vector<256x1xf32> to vector<256x256xf32>
        %min3A_179 = vector.broadcast %slice3A_177 : vector<1x256xf32> to vector<256x256xf32>
        %min3A_180 = arith.minimumf %min3A_178, %min3A_179 : vector<256x256xf32>
        %slice3A_181 = vector.extract_strided_slice %get3A_161 {offsets = [1, 0], sizes = [1, 256], strides = [1, 1]} : vector<4x256xf32> to vector<1x256xf32>
        %max3A_182 = vector.broadcast %reshape3A_97 : vector<256x1xf32> to vector<256x256xf32>
        %max3A_183 = vector.broadcast %slice3A_181 : vector<1x256xf32> to vector<256x256xf32>
        %max3A_184 = arith.maximumf %max3A_182, %max3A_183 : vector<256x256xf32>
        %sub3A_185 = arith.subf %min3A_180, %max3A_184 : vector<256x256xf32>
        %jit3A_186 = arith.constant 0.000000e+00 : f32
        %max3A_187 = vector.broadcast %jit3A_186 : f32 to vector<256x256xf32>
        %max3A_188 = arith.maximumf %max3A_187, %sub3A_185 : vector<256x256xf32>
        %mul3A_189 = arith.mulf %max3A_176, %max3A_188 : vector<256x256xf32>
        %add3A_190 = vector.broadcast %get3A_164 : vector<1x256xf32> to vector<256x256xf32>
        %add3A_191 = vector.broadcast %reshape3A_100 : vector<256x1xf32> to vector<256x256xf32>
        %add3A_192 = arith.addf %add3A_190, %add3A_191 : vector<256x256xf32>
        %sub3A_193 = arith.subf %add3A_192, %mul3A_189 : vector<256x256xf32>
        %max3A_194 = arith.constant 9.99999996E-13 : f32
        %max3A_195 = vector.broadcast %max3A_194 : f32 to vector<256x256xf32>
        %max3A_196 = arith.maximumf %sub3A_193, %max3A_195 : vector<256x256xf32>
        %div3A_197 = arith.divf %mul3A_189, %max3A_196 : vector<256x256xf32>
        %gt3A_198 = arith.constant 0.699999988 : f32
        %gt3A_199 = vector.broadcast %gt3A_198 : f32 to vector<256x256xf32>
        %gt3A_200 = arith.cmpf ogt, %div3A_197, %gt3A_199 : vector<256x256xf32>
        %jit3A_201 = arith.constant 1.000000e+00 : f32
        %jit3A_202 = arith.constant 0.000000e+00 : f32
        %broadcast_in_dim3A_203 = vector.broadcast %jit3A_201 : f32 to vector<256x256xf32>
        %broadcast_in_dim3A_204 = vector.broadcast %jit3A_202 : f32 to vector<256x256xf32>
        %select_n3A_205 = arith.select %gt3A_200, %broadcast_in_dim3A_203, %broadcast_in_dim3A_204 : vector<256x256xi1>, vector<256x256xf32>
        %mul3A_206 = vector.broadcast %reshape3A_144 : vector<256x1xf32> to vector<256x256xf32>
        %mul3A_207 = arith.mulf %select_n3A_205, %mul3A_206 : vector<256x256xf32>
        %reduce_max3A = arith.constant dense<0xFF800000> : vector<256xf32>
        %reduce_max3A_208 = vector.multi_reduction <maximumf>, %mul3A_207, %reduce_max3A [0] : vector<256x256xf32> to vector<256xf32>
        %broadcast_in_dim3A_209 = vector.shape_cast %reduce_max3A_208 : vector<256xf32> to vector<1x256xf32>
        %get3A_210 = arith.constant 0 : index
        %get3A_211 = arith.index_cast %mul3A_158 : i32 to index
        %get3A_212 = vector.load %arg3[%get3A_210, %get3A_211] : memref<1x6144xf32, #tpu.memory_space<vmem>>, vector<1x256xf32>
        %sub3A_213 = arith.constant 1.000000e+00 : f32
        %sub3A_214 = vector.broadcast %sub3A_213 : f32 to vector<1x256xf32>
        %sub3A_215 = arith.subf %sub3A_214, %broadcast_in_dim3A_209 : vector<1x256xf32>
        %mul3A_216 = arith.mulf %get3A_212, %sub3A_215 : vector<1x256xf32>
        %swap3A_217 = arith.constant 0 : index
        %swap3A_218 = arith.index_cast %mul3A_158 : i32 to index
        %swap3A_219 = vector.load %arg3[%swap3A_217, %swap3A_218] : memref<1x6144xf32, #tpu.memory_space<vmem>>, vector<1x256xf32>
        tpu.vector_store %arg3[%swap3A_217, %swap3A_218], %mul3A_216 {strides = array<i32>} : memref<1x6144xf32, #tpu.memory_space<vmem>>, vector<1x256xf32>,
      }
      %while3A_155 = arith.constant 1 : i32
      scf.for %while3A_156 = %while3A_153 to %while3A_149 step %while3A_155  : i32 {
        %mul3A_157 = arith.constant 256 : i32
        %mul3A_158 = arith.muli %while3A_156, %mul3A_157 : i32
        %get3A_159 = arith.constant 0 : index
        %get3A_160 = arith.index_cast %mul3A_158 : i32 to index
        %get3A_161 = vector.load %arg2[%get3A_159, %get3A_160] : memref<4x6144xf32, #tpu.memory_space<vmem>>, vector<4x256xf32>
        %get3A_162 = arith.constant 0 : index
        %get3A_163 = arith.index_cast %mul3A_158 : i32 to index
        %get3A_164 = vector.load %arg4[%get3A_162, %get3A_163] : memref<1x6144xf32, #tpu.memory_space<vmem>>, vector<1x256xf32>
        %slice3A_165 = vector.extract_strided_slice %get3A_161 {offsets = [2, 0], sizes = [1, 256], strides = [1, 1]} : vector<4x256xf32> to vector<1x256xf32>
        %min3A_166 = vector.broadcast %reshape3A_98 : vector<256x1xf32> to vector<256x256xf32>
        %min3A_167 = vector.broadcast %slice3A_165 : vector<1x256xf32> to vector<256x256xf32>
        %min3A_168 = arith.minimumf %min3A_166, %min3A_167 : vector<256x256xf32>
        %slice3A_169 = vector.extract_strided_slice %get3A_161 {offsets = [0, 0], sizes = [1, 256], strides = [1, 1]} : vector<4x256xf32> to vector<1x256xf32>
        %max3A_170 = vector.broadcast %reshape3A : vector<256x1xf32> to vector<256x256xf32>
        %max3A_171 = vector.broadcast %slice3A_169 : vector<1x256xf32> to vector<256x256xf32>
        %max3A_172 = arith.maximumf %max3A_170, %max3A_171 : vector<256x256xf32>
        %sub3A_173 = arith.subf %min3A_168, %max3A_172 : vector<256x256xf32>
        %jit3A_174 = arith.constant 0.000000e+00 : f32
        %max3A_175 = vector.broadcast %jit3A_174 : f32 to vector<256x256xf32>
        %max3A_176 = arith.maximumf %max3A_175, %sub3A_173 : vector<256x256xf32>
        %slice3A_177 = vector.extract_strided_slice %get3A_161 {offsets = [3, 0], sizes = [1, 256], strides = [1, 1]} : vector<4x256xf32> to vector<1x256xf32>
        %min3A_178 = vector.broadcast %reshape3A_99 : vector<256x1xf32> to vector<256x256xf32>
        %min3A_179 = vector.broadcast %slice3A_177 : vector<1x256xf32> to vector<256x256xf32>
        %min3A_180 = arith.minimumf %min3A_178, %min3A_179 : vector<256x256xf32>
        %slice3A_181 = vector.extract_strided_slice %get3A_161 {offsets = [1, 0], sizes = [1, 256], strides = [1, 1]} : vector<4x256xf32> to vector<1x256xf32>
        %max3A_182 = vector.broadcast %reshape3A_97 : vector<256x1xf32> to vector<256x256xf32>
        %max3A_183 = vector.broadcast %slice3A_181 : vector<1x256xf32> to vector<256x256xf32>
        %max3A_184 = arith.maximumf %max3A_182, %max3A_183 : vector<256x256xf32>
        %sub3A_185 = arith.subf %min3A_180, %max3A_184 : vector<256x256xf32>
        %jit3A_186 = arith.constant 0.000000e+00 : f32
        %max3A_187 = vector.broadcast %jit3A_186 : f32 to vector<256x256xf32>
        %max3A_188 = arith.maximumf %max3A_187, %sub3A_185 : vector<256x256xf32>
        %mul3A_189 = arith.mulf %max3A_176, %max3A_188 : vector<256x256xf32>
        %add3A_190 = vector.broadcast %get3A_164 : vector<1x256xf32> to vector<256x256xf32>
        %add3A_191 = vector.broadcast %reshape3A_100 : vector<256x1xf32> to vector<256x256xf32>
        %add3A_192 = arith.addf %add3A_190, %add3A_191 : vector<256x256xf32>
        %sub3A_193 = arith.subf %add3A_192, %mul3A_189 : vector<256x256xf32>
        %max3A_194 = arith.constant 9.99999996E-13 : f32
        %max3A_195 = vector.broadcast %max3A_194 : f32 to vector<256x256xf32>
        %max3A_196 = arith.maximumf %sub3A_193, %max3A_195 : vector<256x256xf32>
        %div3A_197 = arith.divf %mul3A_189, %max3A_196 : vector<256x256xf32>
        %gt3A_198 = arith.constant 0.699999988 : f32
        %gt3A_199 = vector.broadcast %gt3A_198 : f32 to vector<256x256xf32>
        %gt3A_200 = arith.cmpf ogt, %div3A_197, %gt3A_199 : vector<256x256xf32>
        %jit3A_201 = arith.constant 1.000000e+00 : f32
        %jit3A_202 = arith.constant 0.000000e+00 : f32
        %broadcast_in_dim3A_203 = vector.broadcast %jit3A_201 : f32 to vector<256x256xf32>
        %broadcast_in_dim3A_204 = vector.broadcast %jit3A_202 : f32 to vector<256x256xf32>
        %select_n3A_205 = arith.select %gt3A_200, %broadcast_in_dim3A_203, %broadcast_in_dim3A_204 : vector<256x256xi1>, vector<256x256xf32>
        %mul3A_206 = vector.broadcast %reshape3A_144 : vector<256x1xf32> to vector<256x256xf32>
        %mul3A_207 = arith.mulf %select_n3A_205, %mul3A_206 : vector<256x256xf32>
        %reduce_max3A = arith.constant dense<0xFF800000> : vector<256xf32>
        %reduce_max3A_208 = vector.multi_reduction <maximumf>, %mul3A_207, %reduce_max3A [0] : vector<256x256xf32> to vector<256xf32>
        %broadcast_in_dim3A_209 = vector.shape_cast %reduce_max3A_208 : vector<256xf32> to vector<1x256xf32>
        %get3A_210 = arith.constant 0 : index
        %get3A_211 = arith.index_cast %mul3A_158 : i32 to index
        %get3A_212 = vector.load %arg3[%get3A_210, %get3A_211] : memref<1x6144xf32, #tpu.memory_space<vmem>>, vector<1x256xf32>
        %sub3A_213 = arith.constant 1.000000e+00 : f32
        %sub3A_214 = vector.broadcast %sub3A_213 : f32 to vector<1x256xf32>
        %sub3A_215 = arith.subf %sub3A_214, %broadcast_in_dim3A_209 : vector<1x256xf32>
        %mul3A_216 = arith.mulf %get3A_212, %sub3A_215 : vector<1x256xf32>
        %swap3A_217 = arith.constant 0 : index
        %swap3A_218 = arith.index_cast %mul3A_158 : i32 to index
        %swap3A_219 = vector.load %arg3[%swap3A_217, %swap3A_218] : memref<1x6144xf32, #tpu.memory_space<vmem>>, vector<1x256xf32>
        tpu.vector_store %arg3[%swap3A_217, %swap3A_218], %mul3A_216 {strides = array<i32>} : memref<1x6144xf32, #tpu.memory_space<vmem>>, vector<1x256xf32>,
      }
    }
    %scan3A_83 = arith.constant 24 : i32
    return
  }
}

</mosaic_0001>

<sc_bundles>
// kernel: gather_offload_async_start.1
scs
__scs_entry_jumppad:
0x0: {  	(pc) =	sbr.rel $0x88, $3  }
0x1: {  	(tag) =	ssettag $0x0;
	lr =	simm.s32 $0x1  }
0x2: {  	[smem:$0x3F9E] =	sst lr;
	_ =	strace $0xD0000000  }
0x3: {  	_ = 	snop  }
0x4: {  	_ = 	snop  }
0x5: {  	_ = 	snop  }
0x6: {  	_ = 	snop  }
0x7: {  	_ = 	snop  }
__scs_overlays_trampoline_lowered:
0x8: {  	[smem:$0x3FAD] =	sst s0  }
0x9: {  	[smem:$0x3FAE] =	sst s1  }
0xa: {  	[smem:$0x3FAF] =	sst s2  }
0xb: {  	[smem:$0x3FB0] =	sst s3  }
0xc: {  	[smem:$0x3FB1] =	sst s4  }
0xd: {  	[smem:$0x3FB2] =	sst s5  }
0xe: {  	[smem:$0x3FB3] =	sst s6  }
0xf: {  	[smem:$0x3FB4] =	sst s7  }
0x10: {  	[smem:$0x3FB5] =	sst s8  }
0x11: {  	[smem:$0x3FB6] =	sst s9;
	s0 =	simm.s32 @!p0 $0x0  }
0x12: {  	s1 =	sld [smem:$0x3F9C];
	s0 =	simm.s32 @p0 $0x1  }
0x13: {  	[smem:$0x3FB7] =	sst s0;
	s0 =	simm.s32 @!p1 $0x0  }
0x14: {  	s2 =	sld [smem:$0x3F9B];
	s0 =	simm.s32 @p1 $0x1  }
0x15: {  	[smem:$0x3FB8] =	sst s0;
	s0 =	simm.s32 @!p2 $0x0  }
0x16: {  	s3 =	sld [smem:$0x3FDB];
	s0 =	simm.s32 @p2 $0x1  }
0x17: {  	s4 =	simm.s32 $0x1BF5;
	[smem:$0x3FBA] =	sst s0  }
0x18: {  	s0 =	sld [smem:$0x3F9D];
	_ =	swait.ge [sflag:s4], $0x0  }
0x19: {  	s7 =	sld [smem:$0x3F9E]  }
0x1a: {  	s8 =	sadd.s32 $0xFFFFE003, lr  }
0x1b: {  	s9 =	sadd.s32 $0xFFFFFEF7, lr;
	s5 =	simm.s32 $0xFFFFFFFF;
	p2 =	slt.u32 s8, $0xFFFFF086  }
0x1c: {  	p1 =	slt.u32 s9, $0xF7A;
	s5 =	simm.s32 @!p2 $0x0  }
0x1d: {  	s5 =	simm.s32 @p1 $0x1;
	p0 =	seq.s32 s7, s2  }
0x1e: {  	s7 =	smul.u32 @!p0 $0xF7A, s2;
	p2 =	seq.s32 @!p0 s5, $0x0  }
0x1f: {  	s9 =	smul.u32 $0xF7A, s1;
	s8 =	simm.s32 @!p0 $0x1BF5;
	p2 =	por !p2, p0  }
0x20: {  	[sflag:s8] =	ssyncset.s32 @!p0 $0xFFFFF086;
	s6 =	sadd.s32 @!p0 s3, s7;
	s7 =	simm.s32 @!p0 $0x108  }
0x21: {  	s3 =	sadd.s32 s3, s9;
	s6 =	sadd.s32 @!p0 $0x88, s6;
	s7 =	simm.s32 @p2 $0x1082  }
0x22: {  	[simem:s7], [sflag:s8] =	dma.local @!p0 [hbm:s6], $0xF7A  }
0x23: {  	s9 =	sor.u32 $0xD0000000, s2;
	s6 =	simm.s32 $0x108;
	_ =	swait.ge @!p0 [sflag:s8], $0x0  }
0x24: {  	s3 =	sadd.s32 $0x88, s3;
	s6 =	simm.s32 @!p1 $0x1082;
	[sflag:s4] =	ssyncset.s32 $0xFFFFF086  }
0x25: {  	[simem:s6], [sflag:s4] =	dma.local [hbm:s3], $0xF7A  }
0x26: {  	[smem:$0x3F9E] =	sst s1;
	(tag) =	ssettag s2;
	_ =	strace s9  }
0x27: {  	s1 =	sld [smem:$0x3FAE]  }
0x28: {  	s2 =	sld [smem:$0x3FAF]  }
0x29: {  	s4 =	sld [smem:$0x3FB1]  }
0x2a: {  	p0 =	seq.s32 s5, $0x0;
	s5 =	sld [smem:$0x3FB2]  }
0x2b: {  	s6 =	sld [smem:$0x3FB3]  }
0x2c: {  	s7 =	sld [smem:$0x3FB4]  }
0x2d: {  	s3 =	simm.s32 $0x108;
	s8 =	sld [smem:$0x3FB5]  }
0x2e: {  	s3 =	simm.s32 @!p0 $0x1082;
	s9 =	sld [smem:$0x3FB6]  }
0x2f: {  	lr =	sadd.s32 s0, s3;
	s0 =	sld [smem:$0x3FAD]  }
0x30: {  	s3 =	sld [smem:$0x3FB0]  }
0x31: {  	[smem:$0x3FB9] =	sst s10  }
0x32: {  	s10 =	sld [smem:$0x3FB7];
	_ =	sdelay $0x3  }
0x33: {  	p0 =	seq.s32 s10, $0x1;
	s10 =	sld [smem:$0x3FB9];
	_ =	sdelay $0x3  }
0x34: {  	[smem:$0x3FB9] =	sst s10  }
0x35: {  	s10 =	sld [smem:$0x3FB8];
	_ =	sdelay $0x3  }
0x36: {  	p1 =	seq.s32 s10, $0x1;
	s10 =	sld [smem:$0x3FB9];
	_ =	sdelay $0x3  }
0x37: {  	[smem:$0x3FB9] =	sst s10  }
0x38: {  	s10 =	sld [smem:$0x3FBA]  }
0x39: {  	_ = 	snop;
	(pc) =	sbr.ind lr, $3  }
0x3a: {  	_ = 	snop  }
0x3b: {  	_ = 	snop  }
0x3c: {  	p2 =	seq.s32 s10, $0x1;
	s10 =	sld [smem:$0x3FB9]  }
0x3d: {  	_ =	shalt  }
0x3e: {  	_ =	shalt  }
0x3f: {  	_ =	shalt  }
0x40: {  	_ =	shalt  }
0x41: {  	_ =	shalt  }
0x42: {  	_ =	shalt  }
0x43: {  	_ =	shalt  }
0x44: {  	_ =	shalt  }
0x45: {  	_ =	shalt  }
0x46: {  	_ =	shalt  }
0x47: {  	_ =	shalt  }
0x48: {  	_ =	shalt  }
0x49: {  	_ =	shalt  }
0x4a: {  	_ =	shalt  }
0x4b: {  	_ =	shalt  }
0x4c: {  	_ =	shalt  }
0x4d: {  	_ =	shalt  }
0x4e: {  	_ =	shalt  }
0x4f: {  	_ =	shalt  }
0x50: {  	_ =	shalt  }
0x51: {  	_ =	shalt  }
0x52: {  	_ =	shalt  }
0x53: {  	_ =	shalt  }
0x54: {  	_ =	shalt  }
0x55: {  	_ =	shalt  }
0x56: {  	_ =	shalt  }
0x57: {  	_ =	shalt  }
0x58: {  	_ =	shalt  }
0x59: {  	_ =	shalt  }
0x5a: {  	_ =	shalt  }
0x5b: {  	_ =	shalt  }
0x5c: {  	_ =	shalt  }
0x5d: {  	_ =	shalt  }
0x5e: {  	_ =	shalt  }
0x5f: {  	_ =	shalt  }
0x60: {  	_ =	shalt  }
0x61: {  	_ =	shalt  }
0x62: {  	_ =	shalt  }
0x63: {  	_ =	shalt  }
0x64: {  	_ =	shalt  }
0x65: {  	_ =	shalt  }
0x66: {  	_ =	shalt  }
0x67: {  	_ =	shalt  }
0x68: {  	_ =	shalt  }
0x69: {  	_ =	shalt  }
0x6a: {  	_ =	shalt  }
0x6b: {  	_ =	shalt  }
0x6c: {  	_ =	shalt  }
0x6d: {  	_ =	shalt  }
0x6e: {  	_ =	shalt  }
0x6f: {  	_ =	shalt  }
0x70: {  	_ =	shalt  }
0x71: {  	_ =	shalt  }
0x72: {  	_ =	shalt  }
0x73: {  	_ =	shalt  }
0x74: {  	_ =	shalt  }
0x75: {  	_ =	shalt  }
0x76: {  	_ =	shalt  }
0x77: {  	_ =	shalt  }
0x78: {  	_ =	shalt  }
0x79: {  	_ =	shalt  }
0x7a: {  	_ =	shalt  }
0x7b: {  	_ =	shalt  }
0x7c: {  	_ =	shalt  }
0x7d: {  	_ =	shalt  }
0x7e: {  	_ =	shalt  }
0x7f: {  	_ =	shalt  }
0x80: {  	_ =	shalt  }
0x81: {  	_ =	shalt  }
0x82: {  	_ =	shalt  }
0x83: {  	_ =	shalt  }
0x84: {  	_ =	shalt  }
0x85: {  	_ =	shalt  }
0x86: {  	_ =	shalt  }
0x87: {  	_ =	shalt  }
.Lfunc_end0:
.L_simem_size_0:
called_computation.3_lowered:
.L_overlay_start_0:
0x88: {  	s0 =	sld [smem:$0x3FD9]  }
0x89: {  	s1 =	sld [smem:$0x3FFE];
	_ =	sdelay $0x3  }
0x8a: {  	s0 =	sadd.s32 s1, s0  }
0x8b: {  	[smem:$0x3FC5] =	sst s0  }
0x8c: {  	_ = 	snop  }
0x8d: {  	(tm) =	ssettm $0x1  }
0x8e: {  	s15 =	sld [smem:$0x3FFB];
	_ =	sdelay $0x3  }
0x8f: {  	_ =	strace s15  }
0x90: {  	s0 =	sld [smem:$0x3FFC];
	_ =	sdelay $0x3  }
0x91: {  	_ =	strace s0  }
0x92: {  	s0 =	sld [smem:$0x3FFD];
	_ =	sdelay $0x3  }
0x93: {  	_ =	strace s0  }
0x94: {  	_ =	strace $0x8FFFFFFF  }
0x95: {  	s16 =	sld [smem:$0x3FDB];
	_ =	sdelay $0x1  }
0x96: {  	s17 =	simm.s32 $_scs_section_size  }
0x97: {  	s2 =	simm.s32 $_size__tile_overlayer_lowered;
	s3 =	simm.s32 $_tile_overlayer_lowered  }
0x98: {  	s20 =	simm.s32 $0x1BFF;
	s19 =	sshll.u32 s3, $0x1;
	s0 =	sadd.s32 s17, s16  }
0x99: {  	s4 =	simm.s32 $0x0;
	s18 =	sshll.u32 s2, $0x1;
	s2 =	sadd.s32 s19, s0  }
0x9a: {  	[timem:s4], [sflag:s20] =	dma.local [hbm:s2], s18  }
0x9b: {  	_ =	swait.ge [sflag:s20], s18  }
0x9c: {  	s1 =	ssub.s32 $0x0, s18;
	[sflag:s20] =	ssyncset.done $0x0  }
0x9d: {  	[sflag:s20] =	ssyncadd.s32 s1;
	_ =	sdelay $0x1  }
0x9e: {  	s21 =	simm.s32 $0x1B8B  }
0x9f: {  	_ =	swait.ge [sflag:s21], $0x1  }
0xa0: {  	[sflag:s21] =	ssyncset.done $0x0  }
0xa1: {  	s23 =	simm.s32 $0x1B8E;
	s22 =	sld [smem:$0x3FFE];
	[sflag:s21] =	ssyncadd.s32 $0xFFFFFFFF  }
0xa2: {  	s24 =	simm.s32 $execute0_lowered;
	[smem:$0x3FD2] =	sst s23  }
0xa3: {  	s2 =	sshll.u32 s24, $0x1;
	_ =	strace $0x8000004C;
	[dreg:$0x1] =	wrdreg $0xFFFFFFFF  }
0xa4: {  	s25 =	simm.s32 $_size_execute0_lowered;
	s0 =	sadd.s32 s0, s2;
	[dreg:$0x0] =	wrdreg $0x0  }
0xa5: {  	s2 =	sshll.u32 s25, $0x1;
	[dreg:$0x2] =	wrdreg s0  }
0xa6: {  	[dreg:$0x3] =	wrdreg s2  }
0xa7: {  	[dreg:$0x4] =	wrdreg $0xC0  }
0xa8: {  	_ =	task [dreg:s4], $0x5FFFF  }
0xa9: {  	[dreg:$0x1] =	wrdreg $0xFFFFFFFF  }
0xaa: {  	[dreg:$0x0] =	wrdreg $0x60  }
0xab: {  	[dreg:$0x2] =	wrdreg s22  }
0xac: {  	[dreg:$0x3] =	wrdreg $0x9  }
0xad: {  	_ =	task.clear_ibuf [dreg:s4], $0x4FFFF;
	_ =	strace $0x9000004C  }
0xae: {  	s26 =	simm.s32 $0x9;
	_ =	strace $0x8000004E  }
0xaf: {  	_ =	swait.ge [sflag:s26], $0x1  }
0xb0: {  	[sflag:s26] =	ssyncadd.s32 $0xFFFFFFFF  }
0xb1: {  	_ =	strace $0x9000004E  }
0xb2: {  	_ =	sfence  }
0xb3: {  	s28 =	sld [smem:$0x0];
	_ =	sdelay $0x1  }
0xb4: {  	s29 =	srdreg.scid  }
0xb5: {  	s30 =	sshll.u32 s29, $0xD;
	s31 =	sshrl.u32 s29, $0x2  }
0xb6: {  	s1 =	sand.u32 $0x1, s29;
	s2 =	sand.u32 $0x4000, s30;
	s0 =	sadd.s32 s31, s28  }
0xb7: {  	s1 =	sor.u32 s2, s1;
	s0 =	sshll.u32 s0, $0x11  }
0xb8: {  	s0 =	sor.u32 s0, s1  }
0xb9: {  	s0 =	sadd.s32 $0x8F2B, s0  }
0xba: {  	[sflag:s0] =	ssyncadd.remote.s32 $0x1  }
0xbb: {  	_ =	sfence.sel $0xFFFF  }
0xbc: {  	[dreg:$0x0] =	wrdreg $0xFFFFFFFF;
	(pc) =	sbr.abs _section_cstart, $3  }
0xbd: {  	[dreg:$0x1] =	wrdreg $0xFFFFFFFF  }
0xbe: {  	_ =	task.clear_ibuf [dreg:s4], $0x2FFFF;
	_ =	strace $0x9FFFFFFF  }
0xbf: {  	(tm) =	ssettm $0x7FFFFFFF  }
tec
execute0_lowered:
.L_overlay_start_1:
0x0: {  	(tag) =	ssettag $0x1  }
0x1: {  	s2 =	rddreg [dreg:$0x0]  }
0x2: {  	s0 =	rddreg [dreg:$0x1]  }
0x3: {  	_ =	strace $0x8000004D;
	s4 =	simm.s32 $0x1;
	s1 =	stileid.u32  }
0x4: {  	s7 =	simm.s32 $0x1;
	s8 =	simm.s32 $0x1;
	s6 =	simm.s32 $0x2  }
0x5: {  	s9 =	simm.s32 $0x3;
	s10 =	simm.s32 $0x0;
	s13 =	simm.s32 $0x0  }
.Ltmp0:
0x6: {  	s12 =	simm.s32 $0x0;
	p0 =	slt.u32 s1, $0xA;
	(pc) =	sbr.rel .LBB2_1-.Ltmp0, $4  }
0x7: {  	[sflag:s4] =	ssyncpa.u1 $0x0;
	s7 =	simm.s32 @!p0 $0x0;
	p0 =	sne.s32 s1, $0x9  }
0x8: {  	s5 =	smul.u32 $0xF0, s1;
	[sflag:s6] =	ssyncpa.u1 $0x0;
	s8 =	simm.s32 @!p0 $0x0  }
0x9: {  	s3 =	sadd.s32 $0x2E00, s2;
	[sflag:s9] =	ssyncpa.u1 $0x0;
	s7 =	sadd.s32 s8, s7  }
0xa: {  	vm0 =	vmmov $0xffff;
	s11 =	smov.u32 s5;
	s8 =	sadd.s32 $0x400, s2;
	s9 =	sadd.s32 $0x1, s7  }
.LBB2_4:
0xb: {  	v2 =	vnsel vm1, $0x0, v2  }
0xc: {  	vm1 =	vgt.s32 v0, $0x0;
	v2 =	vmin.u32 v2, $0x176F  }
0xd: {  	v0 =	vnsel vm1, $0x0, v0  }
0xe: {  	v0 =	vmin.u32 v0, $0x176F  }
0xf: {  	[tilespmem:s18], [sflag:$0x1] =	stream.indirect_vreg.gather [hbm4b:s3+s10], $0x1, v1, vm0, $0x4038;
	[tilespmem:$0x3C0] =	vst v63  }
0x10: {  	(ifvalue) =	ssetifvalue $0x7FFFFFFF  }
0x11: {  	[tilespmem:s15], [sflag:$0x1] =	stream.indirect_vreg.gather [hbm4b:s3+s10], $0x1, v2, vm0, $0x4038;
	[tilespmem:$0x3C0] =	vst v63  }
0x12: {  	s29 =	sadd.s32 $0x10, s15;
	(ifvalue) =	ssetifvalue $0x7FFFFFFF  }
0x13: {  	[tilespmem:s29], [sflag:$0x1] =	stream.indirect_vreg.gather [hbm4b:s3+s10], $0x1, v0, vm0, $0x4038;
	[tilespmem:$0x3C0] =	vst v63  }
0x14: {  	_ =	swait.ge [sflag:s4], $0xF0  }
0x15: {  	s30 =	sshrl.u32 s13, $0x3;
	[sflag:s4] =	ssyncset.done $0x0  }
0x16: {  	s31 =	sand.u32 $0x7, s13;
	s15 =	sadd.s32 s8, s30;
	[sflag:s4] =	ssyncadd.s32 $0xFFFFFF10  }
0x17: {  	[hbm4b:s15+s31] =	stream.linear.scatter [tilespmem:s14], [sflag:$0x3], $0xF0, $0x38;
	[tilespmem:$0x3C0] =	vst v63  }
.LBB2_5:
0x18: {  	s15 =	sadd.s32 $0xF00, s11  }
0x19: {  	p1 =	sgt.s32 s15, $0x176F  }
0x1a: {  	s15 =	smov.u32 @p1 s5;
	p1 =	sne.s32 s12, s9  }
.Ltmp1:
0x1b: {  	p0 =	slt.u32 s12, $0x2;
	(pc) =	sbr.rel @!p1 .LBB2_6-.Ltmp1, $4  }
0x1c: {  	s14 =	simm.s32 @!p0 $0x3  }
0x1d: {  	_ =	swait.ge @!p0 [sflag:s14], $0xF0  }
0x1e: {  	s16 =	sadd.s32 $0x1, s12;
	s13 =	smov.u32 s11;
	[sflag:s14] =	ssyncset.done @!p0 $0x0  }
0x1f: {  	s12 =	smov.u32 s16;
	s11 =	smov.u32 s15;
	[sflag:s14] =	ssyncadd.s32 @!p0 $0xFFFFFF10  }
.LBB2_1:
0x20: {  	p0 =	sge.u32 s12, s7  }
0x21: {  	s14 =	sxor.u32 @!p0 $0x1, s12  }
0x22: {  	s14 =	smul.u32 @!p0 $0x3C0, s14  }
0x23: {  	s31 =	sadd.s32 $0xFFFFFFFF, s12;
	s15 =	sshrl.u32 @!p0 s11, $0x3  }
0x24: {  	s16 =	sand.u32 @!p0 $0x7, s11;
	s15 =	sadd.s32 @!p0 s2, s15;
	s14 =	sshra.s32 @!p0 s14, $0x2  }
0x25: {  	[tilespmem:s14], [sflag:$0x2] =	stream.linear.gather @!p0 [hbm4b:s15+s16], $0xF0, $0x38;
	[tilespmem:$0x3C0] =	vst v63  }
0x26: {  	p0 =	sge.u32 s31, s7  }
.Ltmp2:
0x27: {  	_ = 	snop;
	(pc) =	sbr.rel @p0 .LBB2_5-.Ltmp2, $1  }
0x28: {  	_ =	sdelay $0x3  }
0x29: {  	s14 =	sand.u32 $0x1, s12  }
0x2a: {  	_ =	swait.ge [sflag:s6], $0xF0;
	p0 =	seq.s32 s14, $0x1;
	s14 =	simm.s32 $0xF0  }
0x2b: {  	[sflag:s6] =	ssyncset.done $0x0;
	s14 =	simm.s32 @!p0 $0x0  }
0x2c: {  	[sflag:s6] =	ssyncadd.s32 $0xFFFFFF10;
	(ifvalue) =	ssetifvalue $0x7FFFFFFF;
	v0 =	vld.msk [tilespmem:s14+$0x0 ss:$0x1], $0xffff;
	_ =	sdelay $0x4  }
0x2d: {  	s15 =	sadd.s32 $0x10, s14;
	vm1 =	vgt.s32 v0, $0x0  }
0x2e: {  	v2 =	vld.msk [tilespmem:s15+$0x0 ss:$0x1], $0xffff;
	v1 =	vnsel vm1, $0x0, v0  }
0x2f: {  	v1 =	vmin.u32 v1, $0x176F;
	_ =	sdelay $0x2  }
0x30: {  	s17 =	simm.s32 $0x20;
	s14 =	sadd.s32 $0x1E0, s14;
	s16 =	sadd.s32 $0x10, s15  }
0x31: {  	s15 =	sadd.s32 $0x10, s14;
	s18 =	smov.u32 s14;
	v0 =	vld.msk [tilespmem:s16+$0x0 ss:$0x1], $0xffff;
	vm1 =	vgt.s32 v2, $0x0;
	(ifvalue) =	ssetifvalue $0x7FFFFFFF  }
.LBB2_3:
0x32: {  	[tilespmem:s18], [sflag:$0x1] =	stream.indirect_vreg.gather [hbm4b:s3+s10], $0x1, v1, vm0, $0x4038;
	[tilespmem:$0x3C0] =	vst v63  }
0x33: {  	s17 =	sadd.s32 $0x10, s17  }
0x34: {  	v2 =	vnsel vm1, $0x0, v2;
	p0 =	slt.u32 s17, $0xE0  }
.Ltmp3:
0x35: {  	s18 =	smov.u32 s15;
	v1 =	vmin.u32 v2, $0x176F;
	(pc) =	sbr.rel @p0 .LBB2_3-.Ltmp3, $3  }
0x36: {  	_ =	sdelay $0x1  }
0x37: {  	s16 =	sadd.s32 $0x10, s16  }
0x38: {  	vm1 =	vgt.s32 v0, $0x0;
	s15 =	sadd.s32 $0x10, s15;
	v2 =	vmov v0;
	(ifvalue) =	ssetifvalue $0x7FFFFFFF;
	v0 =	vld.msk [tilespmem:s16+$0x0 ss:$0x1], $0xffff  }
.Ltmp4:
0x39: {  	_ = 	snop;
	(pc) =	sbr.rel .LBB2_4-.Ltmp4, $1  }
0x3a: {  	_ =	sdelay $0x3  }
.LBB2_6:
0x3b: {  	_ =	sfence.sel $0x180000  }
0x3c: {  	s2 =	simm.s32 $0x2;
	[bflag:$0x0] =	sbarrier.arrive $0xFFFF  }
0x3d: {  	s30 =	simm.s32 $0x3;
	[sflag:s2] =	ssyncpa.u1 $0x1  }
0x3e: {  	s31 =	simm.s32 $0x1;
	[sflag:s30] =	ssyncpa.u1 $0x1  }
0x3f: {  	[sflag:s31] =	ssyncpa.u1 $0x1  }
0x40: {  	p0 =	sne.s32 s1, $0x0;
	_ =	strace $0x9000004D  }
0x41: {  	s0 =	sadd.s32 @!p0 $0x100000, s0;
	[bflag:$0x2] =	sbarrier.arrive $0xFFFF  }
0x42: {  	[sflag:s0] =	ssyncadd.tile.s32 @!p0 $0x1;
	_ =	shalt  }
.Lfunc_end2:
_tile_overlayer_lowered:
.L_overlay_start_2:
0x43: {  	(tag) =	ssettag $0x2  }
0x44: {  	s0 =	rddreg [dreg:$0x0];
	s2 =	stileid.u32  }
0x45: {  	s1 =	rddreg [dreg:$0x1];
	p0 =	sne.s32 s2, $0x0  }
0x46: {  	s3 =	rddreg [dreg:$0x2];
	[bflag:$0x3] =	sbarrier.arrive $0xFFFF;
	s2 =	simm.s32 @!p0 $0x1C01  }
0x47: {  	[timem:s3], [sflag:s2] =	dma.local @!p0 [hbm:s0], s1  }
0x48: {  	s0 =	simm.s32 @!p0 $0x1  }
0x49: {  	_ =	swait.ge @!p0 [sflag:s0], s1  }
0x4a: {  	s1 =	ssub.s32 @!p0 $0x0, s1;
	[sflag:s0] =	ssyncset.done @!p0 $0x0  }
0x4b: {  	[sflag:s0] =	ssyncadd.s32 @!p0 s1  }
0x4c: {  	[bflag:$0x3] =	sbarrier.arrive $0xFFFF  }
0x4d: {  	_ =	shalt  }

// kernel: gather_offload_async_start.2
scs
__scs_entry_jumppad:
0x0: {  	(pc) =	sbr.rel $0x88, $3  }
0x1: {  	(tag) =	ssettag $0x0;
	lr =	simm.s32 $0x1  }
0x2: {  	[smem:$0x3F9E] =	sst lr;
	_ =	strace $0xD0000000  }
0x3: {  	_ = 	snop  }
0x4: {  	_ = 	snop  }
0x5: {  	_ = 	snop  }
0x6: {  	_ = 	snop  }
0x7: {  	_ = 	snop  }
__scs_overlays_trampoline_lowered:
0x8: {  	[smem:$0x3FAD] =	sst s0  }
0x9: {  	[smem:$0x3FAE] =	sst s1  }
0xa: {  	[smem:$0x3FAF] =	sst s2  }
0xb: {  	[smem:$0x3FB0] =	sst s3  }
0xc: {  	[smem:$0x3FB1] =	sst s4  }
0xd: {  	[smem:$0x3FB2] =	sst s5  }
0xe: {  	[smem:$0x3FB3] =	sst s6  }
0xf: {  	[smem:$0x3FB4] =	sst s7  }
0x10: {  	[smem:$0x3FB5] =	sst s8  }
0x11: {  	[smem:$0x3FB6] =	sst s9;
	s0 =	simm.s32 @!p0 $0x0  }
0x12: {  	s1 =	sld [smem:$0x3F9C];
	s0 =	simm.s32 @p0 $0x1  }
0x13: {  	[smem:$0x3FB7] =	sst s0;
	s0 =	simm.s32 @!p1 $0x0  }
0x14: {  	s2 =	sld [smem:$0x3F9B];
	s0 =	simm.s32 @p1 $0x1  }
0x15: {  	[smem:$0x3FB8] =	sst s0;
	s0 =	simm.s32 @!p2 $0x0  }
0x16: {  	s3 =	sld [smem:$0x3FDB];
	s0 =	simm.s32 @p2 $0x1  }
0x17: {  	s4 =	simm.s32 $0x1BF5;
	[smem:$0x3FBA] =	sst s0  }
0x18: {  	s0 =	sld [smem:$0x3F9D];
	_ =	swait.ge [sflag:s4], $0x0  }
0x19: {  	s7 =	sld [smem:$0x3F9E]  }
0x1a: {  	s8 =	sadd.s32 $0xFFFFE003, lr  }
0x1b: {  	s9 =	sadd.s32 $0xFFFFFEF7, lr;
	s5 =	simm.s32 $0xFFFFFFFF;
	p2 =	slt.u32 s8, $0xFFFFF086  }
0x1c: {  	p1 =	slt.u32 s9, $0xF7A;
	s5 =	simm.s32 @!p2 $0x0  }
0x1d: {  	s5 =	simm.s32 @p1 $0x1;
	p0 =	seq.s32 s7, s2  }
0x1e: {  	s7 =	smul.u32 @!p0 $0xF7A, s2;
	p2 =	seq.s32 @!p0 s5, $0x0  }
0x1f: {  	s9 =	smul.u32 $0xF7A, s1;
	s8 =	simm.s32 @!p0 $0x1BF5;
	p2 =	por !p2, p0  }
0x20: {  	[sflag:s8] =	ssyncset.s32 @!p0 $0xFFFFF086;
	s6 =	sadd.s32 @!p0 s3, s7;
	s7 =	simm.s32 @!p0 $0x108  }
0x21: {  	s3 =	sadd.s32 s3, s9;
	s6 =	sadd.s32 @!p0 $0x88, s6;
	s7 =	simm.s32 @p2 $0x1082  }
0x22: {  	[simem:s7], [sflag:s8] =	dma.local @!p0 [hbm:s6], $0xF7A  }
0x23: {  	s9 =	sor.u32 $0xD0000000, s2;
	s6 =	simm.s32 $0x108;
	_ =	swait.ge @!p0 [sflag:s8], $0x0  }
0x24: {  	s3 =	sadd.s32 $0x88, s3;
	s6 =	simm.s32 @!p1 $0x1082;
	[sflag:s4] =	ssyncset.s32 $0xFFFFF086  }
0x25: {  	[simem:s6], [sflag:s4] =	dma.local [hbm:s3], $0xF7A  }
0x26: {  	[smem:$0x3F9E] =	sst s1;
	(tag) =	ssettag s2;
	_ =	strace s9  }
0x27: {  	s1 =	sld [smem:$0x3FAE]  }
0x28: {  	s2 =	sld [smem:$0x3FAF]  }
0x29: {  	s4 =	sld [smem:$0x3FB1]  }
0x2a: {  	p0 =	seq.s32 s5, $0x0;
	s5 =	sld [smem:$0x3FB2]  }
0x2b: {  	s6 =	sld [smem:$0x3FB3]  }
0x2c: {  	s7 =	sld [smem:$0x3FB4]  }
0x2d: {  	s3 =	simm.s32 $0x108;
	s8 =	sld [smem:$0x3FB5]  }
0x2e: {  	s3 =	simm.s32 @!p0 $0x1082;
	s9 =	sld [smem:$0x3FB6]  }
0x2f: {  	lr =	sadd.s32 s0, s3;
	s0 =	sld [smem:$0x3FAD]  }
0x30: {  	s3 =	sld [smem:$0x3FB0]  }
0x31: {  	[smem:$0x3FB9] =	sst s10  }
0x32: {  	s10 =	sld [smem:$0x3FB7];
	_ =	sdelay $0x3  }
0x33: {  	p0 =	seq.s32 s10, $0x1;
	s10 =	sld [smem:$0x3FB9];
	_ =	sdelay $0x3  }
0x34: {  	[smem:$0x3FB9] =	sst s10  }
0x35: {  	s10 =	sld [smem:$0x3FB8];
	_ =	sdelay $0x3  }
0x36: {  	p1 =	seq.s32 s10, $0x1;
	s10 =	sld [smem:$0x3FB9];
	_ =	sdelay $0x3  }
0x37: {  	[smem:$0x3FB9] =	sst s10  }
0x38: {  	s10 =	sld [smem:$0x3FBA]  }
0x39: {  	_ = 	snop;
	(pc) =	sbr.ind lr, $3  }
0x3a: {  	_ = 	snop  }
0x3b: {  	_ = 	snop  }
0x3c: {  	p2 =	seq.s32 s10, $0x1;
	s10 =	sld [smem:$0x3FB9]  }
0x3d: {  	_ =	shalt  }
0x3e: {  	_ =	shalt  }
0x3f: {  	_ =	shalt  }
0x40: {  	_ =	shalt  }
0x41: {  	_ =	shalt  }
0x42: {  	_ =	shalt  }
0x43: {  	_ =	shalt  }
0x44: {  	_ =	shalt  }
0x45: {  	_ =	shalt  }
0x46: {  	_ =	shalt  }
0x47: {  	_ =	shalt  }
0x48: {  	_ =	shalt  }
0x49: {  	_ =	shalt  }
0x4a: {  	_ =	shalt  }
0x4b: {  	_ =	shalt  }
0x4c: {  	_ =	shalt  }
0x4d: {  	_ =	shalt  }
0x4e: {  	_ =	shalt  }
0x4f: {  	_ =	shalt  }
0x50: {  	_ =	shalt  }
0x51: {  	_ =	shalt  }
0x52: {  	_ =	shalt  }
0x53: {  	_ =	shalt  }
0x54: {  	_ =	shalt  }
0x55: {  	_ =	shalt  }
0x56: {  	_ =	shalt  }
0x57: {  	_ =	shalt  }
0x58: {  	_ =	shalt  }
0x59: {  	_ =	shalt  }
0x5a: {  	_ =	shalt  }
0x5b: {  	_ =	shalt  }
0x5c: {  	_ =	shalt  }
0x5d: {  	_ =	shalt  }
0x5e: {  	_ =	shalt  }
0x5f: {  	_ =	shalt  }
0x60: {  	_ =	shalt  }
0x61: {  	_ =	shalt  }
0x62: {  	_ =	shalt  }
0x63: {  	_ =	shalt  }
0x64: {  	_ =	shalt  }
0x65: {  	_ =	shalt  }
0x66: {  	_ =	shalt  }
0x67: {  	_ =	shalt  }
0x68: {  	_ =	shalt  }
0x69: {  	_ =	shalt  }
0x6a: {  	_ =	shalt  }
0x6b: {  	_ =	shalt  }
0x6c: {  	_ =	shalt  }
0x6d: {  	_ =	shalt  }
0x6e: {  	_ =	shalt  }
0x6f: {  	_ =	shalt  }
0x70: {  	_ =	shalt  }
0x71: {  	_ =	shalt  }
0x72: {  	_ =	shalt  }
0x73: {  	_ =	shalt  }
0x74: {  	_ =	shalt  }
0x75: {  	_ =	shalt  }
0x76: {  	_ =	shalt  }
0x77: {  	_ =	shalt  }
0x78: {  	_ =	shalt  }
0x79: {  	_ =	shalt  }
0x7a: {  	_ =	shalt  }
0x7b: {  	_ =	shalt  }
0x7c: {  	_ =	shalt  }
0x7d: {  	_ =	shalt  }
0x7e: {  	_ =	shalt  }
0x7f: {  	_ =	shalt  }
0x80: {  	_ =	shalt  }
0x81: {  	_ =	shalt  }
0x82: {  	_ =	shalt  }
0x83: {  	_ =	shalt  }
0x84: {  	_ =	shalt  }
0x85: {  	_ =	shalt  }
0x86: {  	_ =	shalt  }
0x87: {  	_ =	shalt  }
.Lfunc_end0:
.L_simem_size_0:
called_computation.4_lowered:
.L_overlay_start_0:
0x88: {  	s0 =	sld [smem:$0x3FD9]  }
0x89: {  	s1 =	sld [smem:$0x3FFE];
	_ =	sdelay $0x3  }
0x8a: {  	s0 =	sadd.s32 s1, s0  }
0x8b: {  	[smem:$0x3FC5] =	sst s0  }
0x8c: {  	_ = 	snop  }
0x8d: {  	(tm) =	ssettm $0x1  }
0x8e: {  	s15 =	sld [smem:$0x3FFB];
	_ =	sdelay $0x3  }
0x8f: {  	_ =	strace s15  }
0x90: {  	s0 =	sld [smem:$0x3FFC];
	_ =	sdelay $0x3  }
0x91: {  	_ =	strace s0  }
0x92: {  	s0 =	sld [smem:$0x3FFD];
	_ =	sdelay $0x3  }
0x93: {  	_ =	strace s0  }
0x94: {  	_ =	strace $0x8FFFFFFF  }
0x95: {  	s16 =	sld [smem:$0x3FDB];
	_ =	sdelay $0x1  }
0x96: {  	s17 =	simm.s32 $_scs_section_size  }
0x97: {  	s2 =	simm.s32 $_size__tile_overlayer_lowered;
	s3 =	simm.s32 $_tile_overlayer_lowered  }
0x98: {  	s20 =	simm.s32 $0x1BFF;
	s19 =	sshll.u32 s3, $0x1;
	s0 =	sadd.s32 s17, s16  }
0x99: {  	s4 =	simm.s32 $0x0;
	s18 =	sshll.u32 s2, $0x1;
	s2 =	sadd.s32 s19, s0  }
0x9a: {  	[timem:s4], [sflag:s20] =	dma.local [hbm:s2], s18  }
0x9b: {  	_ =	swait.ge [sflag:s20], s18  }
0x9c: {  	s1 =	ssub.s32 $0x0, s18;
	[sflag:s20] =	ssyncset.done $0x0  }
0x9d: {  	[sflag:s20] =	ssyncadd.s32 s1;
	_ =	sdelay $0x1  }
0x9e: {  	s21 =	simm.s32 $0x1B8B  }
0x9f: {  	_ =	swait.ge [sflag:s21], $0x1  }
0xa0: {  	[sflag:s21] =	ssyncset.done $0x0  }
0xa1: {  	s23 =	simm.s32 $0x1B8E;
	s22 =	sld [smem:$0x3FFE];
	[sflag:s21] =	ssyncadd.s32 $0xFFFFFFFF  }
0xa2: {  	s24 =	simm.s32 $execute0_lowered;
	[smem:$0x3FD2] =	sst s23  }
0xa3: {  	s2 =	sshll.u32 s24, $0x1;
	_ =	strace $0x8000004F;
	[dreg:$0x1] =	wrdreg $0xFFFFFFFF  }
0xa4: {  	s25 =	simm.s32 $_size_execute0_lowered;
	s0 =	sadd.s32 s0, s2;
	[dreg:$0x0] =	wrdreg $0x0  }
0xa5: {  	s2 =	sshll.u32 s25, $0x1;
	[dreg:$0x2] =	wrdreg s0  }
0xa6: {  	[dreg:$0x3] =	wrdreg s2  }
0xa7: {  	[dreg:$0x4] =	wrdreg $0xC0  }
0xa8: {  	_ =	task [dreg:s4], $0x5FFFF  }
0xa9: {  	[dreg:$0x1] =	wrdreg $0xFFFFFFFF  }
0xaa: {  	[dreg:$0x0] =	wrdreg $0x60  }
0xab: {  	[dreg:$0x2] =	wrdreg s22  }
0xac: {  	[dreg:$0x3] =	wrdreg $0x9  }
0xad: {  	_ =	task.clear_ibuf [dreg:s4], $0x4FFFF;
	_ =	strace $0x9000004F  }
0xae: {  	s26 =	simm.s32 $0x9;
	_ =	strace $0x80000051  }
0xaf: {  	_ =	swait.ge [sflag:s26], $0x1  }
0xb0: {  	[sflag:s26] =	ssyncadd.s32 $0xFFFFFFFF  }
0xb1: {  	_ =	strace $0x90000051  }
0xb2: {  	_ =	sfence  }
0xb3: {  	s28 =	sld [smem:$0x0];
	_ =	sdelay $0x1  }
0xb4: {  	s29 =	srdreg.scid  }
0xb5: {  	s30 =	sshll.u32 s29, $0xD;
	s31 =	sshrl.u32 s29, $0x2  }
0xb6: {  	s1 =	sand.u32 $0x1, s29;
	s2 =	sand.u32 $0x4000, s30;
	s0 =	sadd.s32 s31, s28  }
0xb7: {  	s1 =	sor.u32 s2, s1;
	s0 =	sshll.u32 s0, $0x11  }
0xb8: {  	s0 =	sor.u32 s0, s1  }
0xb9: {  	s0 =	sadd.s32 $0x8F2B, s0  }
0xba: {  	[sflag:s0] =	ssyncadd.remote.s32 $0x1  }
0xbb: {  	_ =	sfence.sel $0xFFFF  }
0xbc: {  	[dreg:$0x0] =	wrdreg $0xFFFFFFFF;
	(pc) =	sbr.abs _section_cstart, $3  }
0xbd: {  	[dreg:$0x1] =	wrdreg $0xFFFFFFFF  }
0xbe: {  	_ =	task.clear_ibuf [dreg:s4], $0x2FFFF;
	_ =	strace $0x9FFFFFFF  }
0xbf: {  	(tm) =	ssettm $0x7FFFFFFF  }
tec
execute0_lowered:
.L_overlay_start_1:
0x0: {  	(tag) =	ssettag $0x1  }
0x1: {  	s0 =	stileid.u32  }
0x2: {  	s1 =	smin.u32 s0, $0xE  }
0x3: {  	s1 =	sadd.s32 s0, s1  }
0x4: {  	s2 =	simm.s32 $0x190;
	p0 =	slt.u32 s0, $0xE;
	s1 =	smul.u32 $0xC8, s1  }
0x5: {  	s2 =	simm.s32 @!p0 $0xC8  }
0x6: {  	s2 =	sadd.s32 s2, s1  }
0x7: {  	s3 =	smin.u32 s2, $0x1770  }
0x8: {  	s7 =	ssub.s32 s3, s1  }
0x9: {  	p0 =	sgt.s32 s7, $0x0  }
0xa: {  	s7 =	simm.s32 @!p0 $0x0  }
0xb: {  	s31 =	sand.u32 $0xFFF8, s7  }
0xc: {  	s2 =	sshrl.u32 s31, $0x3  }
0xd: {  	s2 =	smul.u32 $0x147B, s2  }
0xe: {  	s4 =	rddreg [dreg:$0x0];
	s6 =	simm.s32 $0x1  }
0xf: {  	s10 =	simm.s32 $0x3;
	s13 =	simm.s32 $0x0;
	s8 =	sshrl.u32 s2, $0x11  }
0x10: {  	s12 =	simm.s32 $0x0;
	s5 =	sadd.s32 $0x31400, s4;
	s9 =	smul.u32 $0xC8, s8  }
.Ltmp0:
0x11: {  	s11 =	smov.u32 s1;
	s2 =	rddreg [dreg:$0x1];
	(pc) =	sbr.rel .LBB2_1-.Ltmp0, $4  }
0x12: {  	_ =	strace $0x80000050;
	p0 =	sne.s32 s7, s9;
	s9 =	simm.s32 $0x1  }
0x13: {  	[sflag:s6] =	ssyncpa.u1 $0x0;
	s7 =	simm.s32 $0x2;
	s9 =	simm.s32 @!p0 $0x0  }
0x14: {  	[sflag:s7] =	ssyncpa.u1 $0x0;
	p0 =	por $0x0, $0x0;
	s8 =	sadd.s32 s8, s9  }
0x15: {  	vm0 =	vmmov $0xff;
	vm1 =	vcmask $0x3F20;
	s9 =	sadd.s32 $0x800, s4;
	[sflag:s10] =	ssyncpa.u1 $0x0;
	s10 =	sadd.s32 $0x1, s8  }
.LBB2_6:
0x16: {  	[hbm:s17] =	stream.linear.scatter [tilespmem:s14], [sflag:$0x3], $0x400, $0x38;
	[tilespmem:$0xC990] =	vst v63  }
.LBB2_7:
0x17: {  	s13 =	sadd.s32 $0xC8, s11  }
0x18: {  	s15 =	smov.u32 s1;
	p2 =	slt.s32 s13, s3  }
0x19: {  	s15 =	smov.u32 @p2 s13;
	p2 =	sne.s32 s12, s10  }
.Ltmp1:
0x1a: {  	p1 =	slt.u32 s12, $0x2;
	(pc) =	sbr.rel @!p2 .LBB2_8-.Ltmp1, $4  }
0x1b: {  	s14 =	simm.s32 @!p1 $0x3  }
0x1c: {  	s16 =	sadd.s32 $0x1, s12;
	_ =	swait.ge @!p1 [sflag:s14], $0x6400  }
0x1d: {  	p0 =	por !p0, !p0;
	s13 =	smov.u32 s11;
	[sflag:s14] =	ssyncset.done @!p1 $0x0  }
0x1e: {  	s12 =	smov.u32 s16;
	s11 =	smov.u32 s15;
	[sflag:s14] =	ssyncadd.s32 @!p1 $0xFFFF9C00  }
.LBB2_1:
0x1f: {  	p1 =	sge.u32 s12, s8  }
0x20: {  	s14 =	sxor.u32 @!p1 $0xFFFFFFFF, s12  }
0x21: {  	s14 =	sand.u32 @!p1 $0x1, s14  }
0x22: {  	s14 =	smul.u32 @!p1 $0x320, s14  }
0x23: {  	s31 =	sadd.s32 $0xFFFFFFFF, s12;
	s15 =	sshrl.u32 @!p1 s11, $0x3  }
0x24: {  	s16 =	sand.u32 @!p1 $0x7, s11;
	s15 =	sadd.s32 @!p1 s4, s15;
	s14 =	sshrl.u32 @!p1 s14, $0x2  }
0x25: {  	[tilespmem:s14], [sflag:$0x2] =	stream.linear.gather @!p1 [hbm4b:s15+s16], $0xC8, $0x38;
	[tilespmem:$0xC990] =	vst v63  }
0x26: {  	p1 =	sge.u32 s31, s8  }
.Ltmp2:
0x27: {  	_ = 	snop;
	(pc) =	sbr.rel @p1 .LBB2_7-.Ltmp2, $1  }
0x28: {  	_ =	sdelay $0x3  }
0x29: {  	s14 =	simm.s32 $0x1  }
0x2a: {  	s14 =	simm.s32 @!p0 $0x0  }
0x2b: {  	s15 =	smul.u32 $0x320, s14  }
0x2c: {  	_ =	swait.ge [sflag:s7], $0xC8  }
0x2d: {  	[sflag:s7] =	ssyncset.done $0x0;
	s16 =	sshrl.u32 s15, $0x2  }
0x2e: {  	[sflag:s7] =	ssyncadd.s32 $0xFFFFFF38;
	s15 =	sadd.s32 $0x0, s16  }
0x2f: {  	v0 =	vld.msk [tilespmem:s15+$0x0 ss:$0x1], $0xffff;
	_ =	sdelay $0x4  }
0x30: {  	vm2 =	vgt.s32 v0, $0x0  }
0x31: {  	v0 =	vnsel vm2, $0x0, v0  }
0x32: {  	v0 =	vmin.u32 v0, $0x15F8F  }
0x33: {  	v0 =	vshll.u32 v0, $0x4  }
0x34: {  	s14 =	smul.u32 $0x19000, s14  }
0x35: {  	s31 =	sand.u32 $0x1, s12  }
0x36: {  	s17 =	smul.u32 $0x320, s31;
	s14 =	sshrl.u32 s14, $0x2  }
0x37: {  	s19 =	smul.u32 $0x19000, s31;
	s14 =	sor.u32 $0x190, s14  }
0x38: {  	[tilespmem:s14], [sflag:$0x1] =	stream.indirect_vreg.gather [hbm:s5], $0x80, v0, vm0, $0x38;
	[tilespmem:$0xC990] =	vst v63  }
0x39: {  	s18 =	sshrl.u32 s17, $0x2;
	s20 =	sadd.s32 $0x10, s16;
	s15 =	sadd.s32 $0x400, s14  }
0x3a: {  	[tilespmem:s15], [sflag:$0x1] =	stream.indirect_vreg.gather [hbm:s5], $0x80, v0, vm1, $0x38;
	[tilespmem:$0xC990] =	vst v63  }
0x3b: {  	s17 =	sshrl.u32 s19, $0x2;
	s19 =	smov.u32 s14;
	v0 =	vld.msk [tilespmem:s20+$0x0 ss:$0x1], $0xffff;
	s20 =	simm.s32 $0x80  }
.LBB2_3:
0x3c: {  	p1 =	sne.s32 s20, $0x2C0;
	_ =	sdelay $0x4  }
0x3d: {  	vm2 =	vgt.s32 v0, $0x0  }
0x3e: {  	v0 =	vnsel vm2, $0x0, v0  }
0x3f: {  	v0 =	vmin.u32 v0, $0x15F8F  }
0x40: {  	v0 =	vshll.u32 v0, $0x4;
	_ =	sdelay $0x3  }
.Ltmp3:
0x41: {  	s21 =	sshra.s32 s20, $0x2;
	s19 =	sadd.s32 $0x800, s19;
	(pc) =	sbr.rel @p1 .LBB2_3-.Ltmp3, $4  }
0x42: {  	[tilespmem:s19], [sflag:$0x1] =	stream.indirect_vreg.gather [hbm:s5], $0x80, v0, vm0, $0x38;
	[tilespmem:$0xC990] =	vst v63  }
0x43: {  	s21 =	sadd.s32 s21, s16;
	s22 =	sadd.s32 $0x400, s19  }
0x44: {  	[tilespmem:s22], [sflag:$0x1] =	stream.indirect_vreg.gather [hbm:s5], $0x80, v0, vm1, $0x38;
	[tilespmem:$0xC990] =	vst v63  }
0x45: {  	s20 =	sadd.s32 $0x40, s20;
	v0 =	vld.msk [tilespmem:s21+$0x0 ss:$0x1], $0xffff  }
0x46: {  	_ =	sdelay $0x3  }
0x47: {  	vm2 =	vgt.s32 v0, $0x0  }
0x48: {  	v0 =	vnsel vm2, $0x0, v0  }
0x49: {  	v0 =	vmin.u32 v0, $0x15F8F  }
0x4a: {  	v0 =	vshll.u32 v0, $0x4;
	_ =	sdelay $0x3  }
0x4b: {  	s16 =	sadd.s32 $0x800, s19  }
0x4c: {  	[tilespmem:s16], [sflag:$0x1] =	stream.indirect_vreg.gather [hbm:s5], $0x80, v0, vm0, $0x38;
	[tilespmem:$0xC990] =	vst v63  }
0x4d: {  	s16 =	sadd.s32 $0x400, s16  }
0x4e: {  	[tilespmem:s16], [sflag:$0x1] =	stream.indirect_vreg.gather [hbm:s5], $0x80, v0, vm1, $0x38;
	[tilespmem:$0xC990] =	vst v63  }
0x4f: {  	v0 =	vld.msk [tilespmem:s18+$0xC0 ss:$0x1], $0xff;
	_ =	sdelay $0x4  }
0x50: {  	vm2 =	vgt.s32 v0, $0x0  }
0x51: {  	v0 =	vnsel vm2, $0x0, v0  }
0x52: {  	v0 =	vmin.u32 v0, $0x15F8F  }
0x53: {  	v0 =	vshll.u32 v0, $0x4;
	_ =	sdelay $0x3  }
0x54: {  	s31 =	sadd.s32 $0x6190, s17  }
0x55: {  	[tilespmem:s31], [sflag:$0x1] =	stream.indirect_vreg.gather [hbm:s5], $0x80, v0, vm0, $0x38;
	[tilespmem:$0xC990] =	vst v63  }
0x56: {  	s13 =	sshll.u32 s13, $0x4;
	_ =	swait.ge [sflag:s6], $0x6400  }
0x57: {  	s13 =	sadd.s32 s13, s9;
	[sflag:s6] =	ssyncset.done $0x0  }
0x58: {  	s17 =	sadd.s32 $0x0, s13;
	s16 =	simm.s32 $0x80;
	[sflag:s6] =	ssyncadd.s32 $0xFFFF9C00  }
.LBB2_5:
0x59: {  	[hbm:s17] =	stream.linear.scatter [tilespmem:s14], [sflag:$0x3], $0x400, $0x38;
	[tilespmem:$0xC990] =	vst v63  }
0x5a: {  	s17 =	smov.u32 s16;
	s14 =	smov.u32 s15;
	p1 =	sne.s32 s16, $0xC00  }
.Ltmp4:
0x5b: {  	s16 =	sadd.s32 $0x80, s16;
	(pc) =	sbr.rel @p1 .LBB2_5-.Ltmp4, $2  }
0x5c: {  	_ =	sdelay $0x2  }
0x5d: {  	s15 =	sadd.s32 $0x400, s15;
	s17 =	sadd.s32 s17, s13  }
.Ltmp5:
0x5e: {  	_ = 	snop;
	(pc) =	sbr.rel .LBB2_6-.Ltmp5, $1  }
0x5f: {  	_ =	sdelay $0x3  }
.LBB2_8:
0x60: {  	_ =	sfence.sel $0x180000  }
0x61: {  	s1 =	simm.s32 $0x2;
	[bflag:$0x0] =	sbarrier.arrive $0xFFFF  }
0x62: {  	s30 =	simm.s32 $0x3;
	[sflag:s1] =	ssyncpa.u1 $0x1  }
0x63: {  	s31 =	simm.s32 $0x1;
	[sflag:s30] =	ssyncpa.u1 $0x1  }
0x64: {  	[sflag:s31] =	ssyncpa.u1 $0x1  }
0x65: {  	p0 =	sne.s32 s0, $0x0;
	_ =	strace $0x90000050  }
0x66: {  	s0 =	sadd.s32 @!p0 $0x100000, s2;
	[bflag:$0x2] =	sbarrier.arrive $0xFFFF  }
0x67: {  	[sflag:s0] =	ssyncadd.tile.s32 @!p0 $0x1;
	_ =	shalt  }
.Lfunc_end2:
_tile_overlayer_lowered:
.L_overlay_start_2:
0x68: {  	(tag) =	ssettag $0x2  }
0x69: {  	s0 =	rddreg [dreg:$0x0];
	s2 =	stileid.u32  }
0x6a: {  	s1 =	rddreg [dreg:$0x1];
	p0 =	sne.s32 s2, $0x0  }
0x6b: {  	s3 =	rddreg [dreg:$0x2];
	[bflag:$0x3] =	sbarrier.arrive $0xFFFF;
	s2 =	simm.s32 @!p0 $0x1C01  }
0x6c: {  	[timem:s3], [sflag:s2] =	dma.local @!p0 [hbm:s0], s1  }
0x6d: {  	s0 =	simm.s32 @!p0 $0x1  }
0x6e: {  	_ =	swait.ge @!p0 [sflag:s0], s1  }
0x6f: {  	s1 =	ssub.s32 @!p0 $0x0, s1;
	[sflag:s0] =	ssyncset.done @!p0 $0x0  }
0x70: {  	[sflag:s0] =	ssyncadd.s32 @!p0 s1  }
0x71: {  	[bflag:$0x3] =	sbarrier.arrive $0xFFFF  }
0x72: {  	_ =	shalt  }

// kernel: gather_offload_async_start.3
scs
__scs_entry_jumppad:
0x0: {  	(pc) =	sbr.rel $0x88, $3  }
0x1: {  	(tag) =	ssettag $0x0;
	lr =	simm.s32 $0x1  }
0x2: {  	[smem:$0x3F9E] =	sst lr;
	_ =	strace $0xD0000000  }
0x3: {  	_ = 	snop  }
0x4: {  	_ = 	snop  }
0x5: {  	_ = 	snop  }
0x6: {  	_ = 	snop  }
0x7: {  	_ = 	snop  }
__scs_overlays_trampoline_lowered:
0x8: {  	[smem:$0x3FAD] =	sst s0  }
0x9: {  	[smem:$0x3FAE] =	sst s1  }
0xa: {  	[smem:$0x3FAF] =	sst s2  }
0xb: {  	[smem:$0x3FB0] =	sst s3  }
0xc: {  	[smem:$0x3FB1] =	sst s4  }
0xd: {  	[smem:$0x3FB2] =	sst s5  }
0xe: {  	[smem:$0x3FB3] =	sst s6  }
0xf: {  	[smem:$0x3FB4] =	sst s7  }
0x10: {  	[smem:$0x3FB5] =	sst s8  }
0x11: {  	[smem:$0x3FB6] =	sst s9;
	s0 =	simm.s32 @!p0 $0x0  }
0x12: {  	s1 =	sld [smem:$0x3F9C];
	s0 =	simm.s32 @p0 $0x1  }
0x13: {  	[smem:$0x3FB7] =	sst s0;
	s0 =	simm.s32 @!p1 $0x0  }
0x14: {  	s2 =	sld [smem:$0x3F9B];
	s0 =	simm.s32 @p1 $0x1  }
0x15: {  	[smem:$0x3FB8] =	sst s0;
	s0 =	simm.s32 @!p2 $0x0  }
0x16: {  	s3 =	sld [smem:$0x3FDB];
	s0 =	simm.s32 @p2 $0x1  }
0x17: {  	s4 =	simm.s32 $0x1BF5;
	[smem:$0x3FBA] =	sst s0  }
0x18: {  	s0 =	sld [smem:$0x3F9D];
	_ =	swait.ge [sflag:s4], $0x0  }
0x19: {  	s7 =	sld [smem:$0x3F9E]  }
0x1a: {  	s8 =	sadd.s32 $0xFFFFE003, lr  }
0x1b: {  	s9 =	sadd.s32 $0xFFFFFEF7, lr;
	s5 =	simm.s32 $0xFFFFFFFF;
	p2 =	slt.u32 s8, $0xFFFFF086  }
0x1c: {  	p1 =	slt.u32 s9, $0xF7A;
	s5 =	simm.s32 @!p2 $0x0  }
0x1d: {  	s5 =	simm.s32 @p1 $0x1;
	p0 =	seq.s32 s7, s2  }
0x1e: {  	s7 =	smul.u32 @!p0 $0xF7A, s2;
	p2 =	seq.s32 @!p0 s5, $0x0  }
0x1f: {  	s9 =	smul.u32 $0xF7A, s1;
	s8 =	simm.s32 @!p0 $0x1BF5;
	p2 =	por !p2, p0  }
0x20: {  	[sflag:s8] =	ssyncset.s32 @!p0 $0xFFFFF086;
	s6 =	sadd.s32 @!p0 s3, s7;
	s7 =	simm.s32 @!p0 $0x108  }
0x21: {  	s3 =	sadd.s32 s3, s9;
	s6 =	sadd.s32 @!p0 $0x88, s6;
	s7 =	simm.s32 @p2 $0x1082  }
0x22: {  	[simem:s7], [sflag:s8] =	dma.local @!p0 [hbm:s6], $0xF7A  }
0x23: {  	s9 =	sor.u32 $0xD0000000, s2;
	s6 =	simm.s32 $0x108;
	_ =	swait.ge @!p0 [sflag:s8], $0x0  }
0x24: {  	s3 =	sadd.s32 $0x88, s3;
	s6 =	simm.s32 @!p1 $0x1082;
	[sflag:s4] =	ssyncset.s32 $0xFFFFF086  }
0x25: {  	[simem:s6], [sflag:s4] =	dma.local [hbm:s3], $0xF7A  }
0x26: {  	[smem:$0x3F9E] =	sst s1;
	(tag) =	ssettag s2;
	_ =	strace s9  }
0x27: {  	s1 =	sld [smem:$0x3FAE]  }
0x28: {  	s2 =	sld [smem:$0x3FAF]  }
0x29: {  	s4 =	sld [smem:$0x3FB1]  }
0x2a: {  	p0 =	seq.s32 s5, $0x0;
	s5 =	sld [smem:$0x3FB2]  }
0x2b: {  	s6 =	sld [smem:$0x3FB3]  }
0x2c: {  	s7 =	sld [smem:$0x3FB4]  }
0x2d: {  	s3 =	simm.s32 $0x108;
	s8 =	sld [smem:$0x3FB5]  }
0x2e: {  	s3 =	simm.s32 @!p0 $0x1082;
	s9 =	sld [smem:$0x3FB6]  }
0x2f: {  	lr =	sadd.s32 s0, s3;
	s0 =	sld [smem:$0x3FAD]  }
0x30: {  	s3 =	sld [smem:$0x3FB0]  }
0x31: {  	[smem:$0x3FB9] =	sst s10  }
0x32: {  	s10 =	sld [smem:$0x3FB7];
	_ =	sdelay $0x3  }
0x33: {  	p0 =	seq.s32 s10, $0x1;
	s10 =	sld [smem:$0x3FB9];
	_ =	sdelay $0x3  }
0x34: {  	[smem:$0x3FB9] =	sst s10  }
0x35: {  	s10 =	sld [smem:$0x3FB8];
	_ =	sdelay $0x3  }
0x36: {  	p1 =	seq.s32 s10, $0x1;
	s10 =	sld [smem:$0x3FB9];
	_ =	sdelay $0x3  }
0x37: {  	[smem:$0x3FB9] =	sst s10  }
0x38: {  	s10 =	sld [smem:$0x3FBA]  }
0x39: {  	_ = 	snop;
	(pc) =	sbr.ind lr, $3  }
0x3a: {  	_ = 	snop  }
0x3b: {  	_ = 	snop  }
0x3c: {  	p2 =	seq.s32 s10, $0x1;
	s10 =	sld [smem:$0x3FB9]  }
0x3d: {  	_ =	shalt  }
0x3e: {  	_ =	shalt  }
0x3f: {  	_ =	shalt  }
0x40: {  	_ =	shalt  }
0x41: {  	_ =	shalt  }
0x42: {  	_ =	shalt  }
0x43: {  	_ =	shalt  }
0x44: {  	_ =	shalt  }
0x45: {  	_ =	shalt  }
0x46: {  	_ =	shalt  }
0x47: {  	_ =	shalt  }
0x48: {  	_ =	shalt  }
0x49: {  	_ =	shalt  }
0x4a: {  	_ =	shalt  }
0x4b: {  	_ =	shalt  }
0x4c: {  	_ =	shalt  }
0x4d: {  	_ =	shalt  }
0x4e: {  	_ =	shalt  }
0x4f: {  	_ =	shalt  }
0x50: {  	_ =	shalt  }
0x51: {  	_ =	shalt  }
0x52: {  	_ =	shalt  }
0x53: {  	_ =	shalt  }
0x54: {  	_ =	shalt  }
0x55: {  	_ =	shalt  }
0x56: {  	_ =	shalt  }
0x57: {  	_ =	shalt  }
0x58: {  	_ =	shalt  }
0x59: {  	_ =	shalt  }
0x5a: {  	_ =	shalt  }
0x5b: {  	_ =	shalt  }
0x5c: {  	_ =	shalt  }
0x5d: {  	_ =	shalt  }
0x5e: {  	_ =	shalt  }
0x5f: {  	_ =	shalt  }
0x60: {  	_ =	shalt  }
0x61: {  	_ =	shalt  }
0x62: {  	_ =	shalt  }
0x63: {  	_ =	shalt  }
0x64: {  	_ =	shalt  }
0x65: {  	_ =	shalt  }
0x66: {  	_ =	shalt  }
0x67: {  	_ =	shalt  }
0x68: {  	_ =	shalt  }
0x69: {  	_ =	shalt  }
0x6a: {  	_ =	shalt  }
0x6b: {  	_ =	shalt  }
0x6c: {  	_ =	shalt  }
0x6d: {  	_ =	shalt  }
0x6e: {  	_ =	shalt  }
0x6f: {  	_ =	shalt  }
0x70: {  	_ =	shalt  }
0x71: {  	_ =	shalt  }
0x72: {  	_ =	shalt  }
0x73: {  	_ =	shalt  }
0x74: {  	_ =	shalt  }
0x75: {  	_ =	shalt  }
0x76: {  	_ =	shalt  }
0x77: {  	_ =	shalt  }
0x78: {  	_ =	shalt  }
0x79: {  	_ =	shalt  }
0x7a: {  	_ =	shalt  }
0x7b: {  	_ =	shalt  }
0x7c: {  	_ =	shalt  }
0x7d: {  	_ =	shalt  }
0x7e: {  	_ =	shalt  }
0x7f: {  	_ =	shalt  }
0x80: {  	_ =	shalt  }
0x81: {  	_ =	shalt  }
0x82: {  	_ =	shalt  }
0x83: {  	_ =	shalt  }
0x84: {  	_ =	shalt  }
0x85: {  	_ =	shalt  }
0x86: {  	_ =	shalt  }
0x87: {  	_ =	shalt  }
.Lfunc_end0:
.L_simem_size_0:
called_computation.5_lowered:
.L_overlay_start_0:
0x88: {  	s0 =	sld [smem:$0x3FD9]  }
0x89: {  	s1 =	sld [smem:$0x3FFE];
	_ =	sdelay $0x3  }
0x8a: {  	s0 =	sadd.s32 s1, s0  }
0x8b: {  	[smem:$0x3FC5] =	sst s0  }
0x8c: {  	_ = 	snop  }
0x8d: {  	(tm) =	ssettm $0x1  }
0x8e: {  	s15 =	sld [smem:$0x3FFB];
	_ =	sdelay $0x3  }
0x8f: {  	_ =	strace s15  }
0x90: {  	s0 =	sld [smem:$0x3FFC];
	_ =	sdelay $0x3  }
0x91: {  	_ =	strace s0  }
0x92: {  	s0 =	sld [smem:$0x3FFD];
	_ =	sdelay $0x3  }
0x93: {  	_ =	strace s0  }
0x94: {  	_ =	strace $0x8FFFFFFF  }
0x95: {  	s16 =	sld [smem:$0x3FDB];
	_ =	sdelay $0x1  }
0x96: {  	s17 =	simm.s32 $_scs_section_size  }
0x97: {  	s2 =	simm.s32 $_size__tile_overlayer_lowered;
	s3 =	simm.s32 $_tile_overlayer_lowered  }
0x98: {  	s20 =	simm.s32 $0x1BFF;
	s19 =	sshll.u32 s3, $0x1;
	s0 =	sadd.s32 s17, s16  }
0x99: {  	s4 =	simm.s32 $0x0;
	s18 =	sshll.u32 s2, $0x1;
	s2 =	sadd.s32 s19, s0  }
0x9a: {  	[timem:s4], [sflag:s20] =	dma.local [hbm:s2], s18  }
0x9b: {  	_ =	swait.ge [sflag:s20], s18  }
0x9c: {  	s1 =	ssub.s32 $0x0, s18;
	[sflag:s20] =	ssyncset.done $0x0  }
0x9d: {  	[sflag:s20] =	ssyncadd.s32 s1;
	_ =	sdelay $0x1  }
0x9e: {  	s21 =	simm.s32 $0x1B8B  }
0x9f: {  	_ =	swait.ge [sflag:s21], $0x1  }
0xa0: {  	[sflag:s21] =	ssyncset.done $0x0  }
0xa1: {  	s23 =	simm.s32 $0x1B8E;
	s22 =	sld [smem:$0x3FFE];
	[sflag:s21] =	ssyncadd.s32 $0xFFFFFFFF  }
0xa2: {  	s24 =	simm.s32 $execute0_lowered;
	[smem:$0x3FD2] =	sst s23  }
0xa3: {  	s2 =	sshll.u32 s24, $0x1;
	_ =	strace $0x80000052;
	[dreg:$0x1] =	wrdreg $0xFFFFFFFF  }
0xa4: {  	s25 =	simm.s32 $_size_execute0_lowered;
	s0 =	sadd.s32 s0, s2;
	[dreg:$0x0] =	wrdreg $0x0  }
0xa5: {  	s2 =	sshll.u32 s25, $0x1;
	[dreg:$0x2] =	wrdreg s0  }
0xa6: {  	[dreg:$0x3] =	wrdreg s2  }
0xa7: {  	[dreg:$0x4] =	wrdreg $0xC0  }
0xa8: {  	_ =	task [dreg:s4], $0x5FFFF  }
0xa9: {  	[dreg:$0x1] =	wrdreg $0xFFFFFFFF  }
0xaa: {  	[dreg:$0x0] =	wrdreg $0x60  }
0xab: {  	[dreg:$0x2] =	wrdreg s22  }
0xac: {  	[dreg:$0x3] =	wrdreg $0xA  }
0xad: {  	_ =	task.clear_ibuf [dreg:s4], $0x4FFFF;
	_ =	strace $0x90000052  }
0xae: {  	s26 =	simm.s32 $0xA;
	_ =	strace $0x80000054  }
0xaf: {  	_ =	swait.ge [sflag:s26], $0x1  }
0xb0: {  	[sflag:s26] =	ssyncadd.s32 $0xFFFFFFFF  }
0xb1: {  	_ =	strace $0x90000054  }
0xb2: {  	_ =	sfence  }
0xb3: {  	s28 =	sld [smem:$0x0];
	_ =	sdelay $0x1  }
0xb4: {  	s29 =	srdreg.scid  }
0xb5: {  	s30 =	sshll.u32 s29, $0xD;
	s31 =	sshrl.u32 s29, $0x2  }
0xb6: {  	s1 =	sand.u32 $0x1, s29;
	s2 =	sand.u32 $0x4000, s30;
	s0 =	sadd.s32 s31, s28  }
0xb7: {  	s1 =	sor.u32 s2, s1;
	s0 =	sshll.u32 s0, $0x11  }
0xb8: {  	s0 =	sor.u32 s0, s1  }
0xb9: {  	s0 =	sadd.s32 $0x8F2B, s0  }
0xba: {  	[sflag:s0] =	ssyncadd.remote.s32 $0x1  }
0xbb: {  	_ =	sfence.sel $0xFFFF  }
0xbc: {  	[dreg:$0x0] =	wrdreg $0xFFFFFFFF;
	(pc) =	sbr.abs _section_cstart, $3  }
0xbd: {  	[dreg:$0x1] =	wrdreg $0xFFFFFFFF  }
0xbe: {  	_ =	task.clear_ibuf [dreg:s4], $0x2FFFF;
	_ =	strace $0x9FFFFFFF  }
0xbf: {  	(tm) =	ssettm $0x7FFFFFFF  }
tec
execute0_lowered:
.L_overlay_start_1:
0x0: {  	(tag) =	ssettag $0x1  }
0x1: {  	s0 =	stileid.u32  }
0x2: {  	s1 =	smin.u32 s0, $0xE  }
0x3: {  	s1 =	sadd.s32 s0, s1  }
0x4: {  	s2 =	simm.s32 $0x190;
	p0 =	slt.u32 s0, $0xE;
	s1 =	smul.u32 $0xC8, s1  }
0x5: {  	s2 =	simm.s32 @!p0 $0xC8  }
0x6: {  	s2 =	sadd.s32 s2, s1  }
0x7: {  	s3 =	smin.u32 s2, $0x1770  }
0x8: {  	s7 =	ssub.s32 s3, s1  }
0x9: {  	p0 =	sgt.s32 s7, $0x0  }
0xa: {  	s7 =	simm.s32 @!p0 $0x0  }
0xb: {  	s31 =	sand.u32 $0xFFF8, s7  }
0xc: {  	s2 =	sshrl.u32 s31, $0x3  }
0xd: {  	s2 =	smul.u32 $0x147B, s2  }
0xe: {  	s4 =	rddreg [dreg:$0x0];
	s6 =	simm.s32 $0x1  }
0xf: {  	s10 =	simm.s32 $0x3;
	s13 =	simm.s32 $0x0;
	s8 =	sshrl.u32 s2, $0x11  }
0x10: {  	s12 =	simm.s32 $0x0;
	s5 =	sadd.s32 $0x190E00, s4;
	s9 =	smul.u32 $0xC8, s8  }
.Ltmp0:
0x11: {  	s11 =	smov.u32 s1;
	s2 =	rddreg [dreg:$0x1];
	(pc) =	sbr.rel .LBB2_1-.Ltmp0, $4  }
0x12: {  	_ =	strace $0x80000053;
	p0 =	sne.s32 s7, s9;
	s9 =	simm.s32 $0x1  }
0x13: {  	[sflag:s6] =	ssyncpa.u1 $0x0;
	s7 =	simm.s32 $0x2;
	s9 =	simm.s32 @!p0 $0x0  }
0x14: {  	[sflag:s7] =	ssyncpa.u1 $0x0;
	p0 =	por $0x0, $0x0;
	s8 =	sadd.s32 s8, s9  }
0x15: {  	vm0 =	vmmov $0xff;
	vm1 =	vcmask $0x3F20;
	s9 =	sadd.s32 $0x18000, s4;
	[sflag:s10] =	ssyncpa.u1 $0x0;
	s10 =	sadd.s32 $0x1, s8  }
.LBB2_6:
0x16: {  	[hbm:s17] =	stream.linear.scatter [tilespmem:s14], [sflag:$0x3], $0x400, $0x38;
	[tilespmem:$0xC990] =	vst v63  }
.LBB2_7:
0x17: {  	s13 =	sadd.s32 $0xC8, s11  }
0x18: {  	s15 =	smov.u32 s1;
	p2 =	slt.s32 s13, s3  }
0x19: {  	s15 =	smov.u32 @p2 s13;
	p2 =	sne.s32 s12, s10  }
.Ltmp1:
0x1a: {  	p1 =	slt.u32 s12, $0x2;
	(pc) =	sbr.rel @!p2 .LBB2_8-.Ltmp1, $4  }
0x1b: {  	s14 =	simm.s32 @!p1 $0x3  }
0x1c: {  	s16 =	sadd.s32 $0x1, s12;
	_ =	swait.ge @!p1 [sflag:s14], $0x6400  }
0x1d: {  	p0 =	por !p0, !p0;
	s13 =	smov.u32 s11;
	[sflag:s14] =	ssyncset.done @!p1 $0x0  }
0x1e: {  	s12 =	smov.u32 s16;
	s11 =	smov.u32 s15;
	[sflag:s14] =	ssyncadd.s32 @!p1 $0xFFFF9C00  }
.LBB2_1:
0x1f: {  	p1 =	sge.u32 s12, s8  }
0x20: {  	s14 =	sxor.u32 @!p1 $0xFFFFFFFF, s12  }
0x21: {  	s14 =	sand.u32 @!p1 $0x1, s14  }
0x22: {  	s14 =	smul.u32 @!p1 $0x320, s14  }
0x23: {  	s31 =	sadd.s32 $0xFFFFFFFF, s12;
	s15 =	sshrl.u32 @!p1 s11, $0x3  }
0x24: {  	s16 =	sand.u32 @!p1 $0x7, s11;
	s15 =	sadd.s32 @!p1 s4, s15;
	s14 =	sshrl.u32 @!p1 s14, $0x2  }
0x25: {  	[tilespmem:s14], [sflag:$0x2] =	stream.linear.gather @!p1 [hbm4b:s15+s16], $0xC8, $0x38;
	[tilespmem:$0xC990] =	vst v63  }
0x26: {  	p1 =	sge.u32 s31, s8  }
.Ltmp2:
0x27: {  	_ = 	snop;
	(pc) =	sbr.rel @p1 .LBB2_7-.Ltmp2, $1  }
0x28: {  	_ =	sdelay $0x3  }
0x29: {  	s14 =	simm.s32 $0x1  }
0x2a: {  	s14 =	simm.s32 @!p0 $0x0  }
0x2b: {  	s15 =	smul.u32 $0x320, s14  }
0x2c: {  	_ =	swait.ge [sflag:s7], $0xC8  }
0x2d: {  	[sflag:s7] =	ssyncset.done $0x0;
	s16 =	sshrl.u32 s15, $0x2  }
0x2e: {  	[sflag:s7] =	ssyncadd.s32 $0xFFFFFF38;
	s15 =	sadd.s32 $0x0, s16  }
0x2f: {  	v0 =	vld.msk [tilespmem:s15+$0x0 ss:$0x1], $0xffff;
	_ =	sdelay $0x4  }
0x30: {  	vm2 =	vgt.s32 v0, $0x0  }
0x31: {  	v0 =	vnsel vm2, $0x0, v0  }
0x32: {  	v0 =	vmin.u32 v0, $0x15F8F  }
0x33: {  	v0 =	vshll.u32 v0, $0x4  }
0x34: {  	s14 =	smul.u32 $0x19000, s14  }
0x35: {  	s31 =	sand.u32 $0x1, s12  }
0x36: {  	s17 =	smul.u32 $0x320, s31;
	s14 =	sshrl.u32 s14, $0x2  }
0x37: {  	s19 =	smul.u32 $0x19000, s31;
	s14 =	sor.u32 $0x190, s14  }
0x38: {  	[tilespmem:s14], [sflag:$0x1] =	stream.indirect_vreg.gather [hbm:s5], $0x80, v0, vm0, $0x38;
	[tilespmem:$0xC990] =	vst v63  }
0x39: {  	s18 =	sshrl.u32 s17, $0x2;
	s20 =	sadd.s32 $0x10, s16;
	s15 =	sadd.s32 $0x400, s14  }
0x3a: {  	[tilespmem:s15], [sflag:$0x1] =	stream.indirect_vreg.gather [hbm:s5], $0x80, v0, vm1, $0x38;
	[tilespmem:$0xC990] =	vst v63  }
0x3b: {  	s17 =	sshrl.u32 s19, $0x2;
	s19 =	smov.u32 s14;
	v0 =	vld.msk [tilespmem:s20+$0x0 ss:$0x1], $0xffff;
	s20 =	simm.s32 $0x80  }
.LBB2_3:
0x3c: {  	p1 =	sne.s32 s20, $0x2C0;
	_ =	sdelay $0x4  }
0x3d: {  	vm2 =	vgt.s32 v0, $0x0  }
0x3e: {  	v0 =	vnsel vm2, $0x0, v0  }
0x3f: {  	v0 =	vmin.u32 v0, $0x15F8F  }
0x40: {  	v0 =	vshll.u32 v0, $0x4;
	_ =	sdelay $0x3  }
.Ltmp3:
0x41: {  	s21 =	sshra.s32 s20, $0x2;
	s19 =	sadd.s32 $0x800, s19;
	(pc) =	sbr.rel @p1 .LBB2_3-.Ltmp3, $4  }
0x42: {  	[tilespmem:s19], [sflag:$0x1] =	stream.indirect_vreg.gather [hbm:s5], $0x80, v0, vm0, $0x38;
	[tilespmem:$0xC990] =	vst v63  }
0x43: {  	s21 =	sadd.s32 s21, s16;
	s22 =	sadd.s32 $0x400, s19  }
0x44: {  	[tilespmem:s22], [sflag:$0x1] =	stream.indirect_vreg.gather [hbm:s5], $0x80, v0, vm1, $0x38;
	[tilespmem:$0xC990] =	vst v63  }
0x45: {  	s20 =	sadd.s32 $0x40, s20;
	v0 =	vld.msk [tilespmem:s21+$0x0 ss:$0x1], $0xffff  }
0x46: {  	_ =	sdelay $0x3  }
0x47: {  	vm2 =	vgt.s32 v0, $0x0  }
0x48: {  	v0 =	vnsel vm2, $0x0, v0  }
0x49: {  	v0 =	vmin.u32 v0, $0x15F8F  }
0x4a: {  	v0 =	vshll.u32 v0, $0x4;
	_ =	sdelay $0x3  }
0x4b: {  	s16 =	sadd.s32 $0x800, s19  }
0x4c: {  	[tilespmem:s16], [sflag:$0x1] =	stream.indirect_vreg.gather [hbm:s5], $0x80, v0, vm0, $0x38;
	[tilespmem:$0xC990] =	vst v63  }
0x4d: {  	s16 =	sadd.s32 $0x400, s16  }
0x4e: {  	[tilespmem:s16], [sflag:$0x1] =	stream.indirect_vreg.gather [hbm:s5], $0x80, v0, vm1, $0x38;
	[tilespmem:$0xC990] =	vst v63  }
0x4f: {  	v0 =	vld.msk [tilespmem:s18+$0xC0 ss:$0x1], $0xff;
	_ =	sdelay $0x4  }
0x50: {  	vm2 =	vgt.s32 v0, $0x0  }
0x51: {  	v0 =	vnsel vm2, $0x0, v0  }
0x52: {  	v0 =	vmin.u32 v0, $0x15F8F  }
0x53: {  	v0 =	vshll.u32 v0, $0x4;
	_ =	sdelay $0x3  }
0x54: {  	s31 =	sadd.s32 $0x6190, s17  }
0x55: {  	[tilespmem:s31], [sflag:$0x1] =	stream.indirect_vreg.gather [hbm:s5], $0x80, v0, vm0, $0x38;
	[tilespmem:$0xC990] =	vst v63  }
0x56: {  	s13 =	sshll.u32 s13, $0x4;
	_ =	swait.ge [sflag:s6], $0x6400  }
0x57: {  	s13 =	sadd.s32 s13, s9;
	[sflag:s6] =	ssyncset.done $0x0  }
0x58: {  	s17 =	sadd.s32 $0x0, s13;
	s16 =	simm.s32 $0x80;
	[sflag:s6] =	ssyncadd.s32 $0xFFFF9C00  }
.LBB2_5:
0x59: {  	[hbm:s17] =	stream.linear.scatter [tilespmem:s14], [sflag:$0x3], $0x400, $0x38;
	[tilespmem:$0xC990] =	vst v63  }
0x5a: {  	s17 =	smov.u32 s16;
	s14 =	smov.u32 s15;
	p1 =	sne.s32 s16, $0xC00  }
.Ltmp4:
0x5b: {  	s16 =	sadd.s32 $0x80, s16;
	(pc) =	sbr.rel @p1 .LBB2_5-.Ltmp4, $2  }
0x5c: {  	_ =	sdelay $0x2  }
0x5d: {  	s15 =	sadd.s32 $0x400, s15;
	s17 =	sadd.s32 s17, s13  }
.Ltmp5:
0x5e: {  	_ = 	snop;
	(pc) =	sbr.rel .LBB2_6-.Ltmp5, $1  }
0x5f: {  	_ =	sdelay $0x3  }
.LBB2_8:
0x60: {  	_ =	sfence.sel $0x180000  }
0x61: {  	s1 =	simm.s32 $0x2;
	[bflag:$0x0] =	sbarrier.arrive $0xFFFF  }
0x62: {  	s30 =	simm.s32 $0x3;
	[sflag:s1] =	ssyncpa.u1 $0x1  }
0x63: {  	s31 =	simm.s32 $0x1;
	[sflag:s30] =	ssyncpa.u1 $0x1  }
0x64: {  	[sflag:s31] =	ssyncpa.u1 $0x1  }
0x65: {  	p0 =	sne.s32 s0, $0x0;
	_ =	strace $0x90000053  }
0x66: {  	s0 =	sadd.s32 @!p0 $0x100000, s2;
	[bflag:$0x2] =	sbarrier.arrive $0xFFFF  }
0x67: {  	[sflag:s0] =	ssyncadd.tile.s32 @!p0 $0x1;
	_ =	shalt  }
.Lfunc_end2:
_tile_overlayer_lowered:
.L_overlay_start_2:
0x68: {  	(tag) =	ssettag $0x2  }
0x69: {  	s0 =	rddreg [dreg:$0x0];
	s2 =	stileid.u32  }
0x6a: {  	s1 =	rddreg [dreg:$0x1];
	p0 =	sne.s32 s2, $0x0  }
0x6b: {  	s3 =	rddreg [dreg:$0x2];
	[bflag:$0x3] =	sbarrier.arrive $0xFFFF;
	s2 =	simm.s32 @!p0 $0x1C01  }
0x6c: {  	[timem:s3], [sflag:s2] =	dma.local @!p0 [hbm:s0], s1  }
0x6d: {  	s0 =	simm.s32 @!p0 $0x1  }
0x6e: {  	_ =	swait.ge @!p0 [sflag:s0], s1  }
0x6f: {  	s1 =	ssub.s32 @!p0 $0x0, s1;
	[sflag:s0] =	ssyncset.done @!p0 $0x0  }
0x70: {  	[sflag:s0] =	ssyncadd.s32 @!p0 s1  }
0x71: {  	[bflag:$0x3] =	sbarrier.arrive $0xFFFF  }
0x72: {  	_ =	shalt  }

// kernel: gather_offload_async_start
scs
__scs_entry_jumppad:
0x0: {  	(pc) =	sbr.rel $0x88, $3  }
0x1: {  	(tag) =	ssettag $0x0;
	lr =	simm.s32 $0x1  }
0x2: {  	[smem:$0x3F9E] =	sst lr;
	_ =	strace $0xD0000000  }
0x3: {  	_ = 	snop  }
0x4: {  	_ = 	snop  }
0x5: {  	_ = 	snop  }
0x6: {  	_ = 	snop  }
0x7: {  	_ = 	snop  }
__scs_overlays_trampoline_lowered:
0x8: {  	[smem:$0x3FAD] =	sst s0  }
0x9: {  	[smem:$0x3FAE] =	sst s1  }
0xa: {  	[smem:$0x3FAF] =	sst s2  }
0xb: {  	[smem:$0x3FB0] =	sst s3  }
0xc: {  	[smem:$0x3FB1] =	sst s4  }
0xd: {  	[smem:$0x3FB2] =	sst s5  }
0xe: {  	[smem:$0x3FB3] =	sst s6  }
0xf: {  	[smem:$0x3FB4] =	sst s7  }
0x10: {  	[smem:$0x3FB5] =	sst s8  }
0x11: {  	[smem:$0x3FB6] =	sst s9;
	s0 =	simm.s32 @!p0 $0x0  }
0x12: {  	s1 =	sld [smem:$0x3F9C];
	s0 =	simm.s32 @p0 $0x1  }
0x13: {  	[smem:$0x3FB7] =	sst s0;
	s0 =	simm.s32 @!p1 $0x0  }
0x14: {  	s2 =	sld [smem:$0x3F9B];
	s0 =	simm.s32 @p1 $0x1  }
0x15: {  	[smem:$0x3FB8] =	sst s0;
	s0 =	simm.s32 @!p2 $0x0  }
0x16: {  	s3 =	sld [smem:$0x3FDB];
	s0 =	simm.s32 @p2 $0x1  }
0x17: {  	s4 =	simm.s32 $0x1BF5;
	[smem:$0x3FBA] =	sst s0  }
0x18: {  	s0 =	sld [smem:$0x3F9D];
	_ =	swait.ge [sflag:s4], $0x0  }
0x19: {  	s7 =	sld [smem:$0x3F9E]  }
0x1a: {  	s8 =	sadd.s32 $0xFFFFE003, lr  }
0x1b: {  	s9 =	sadd.s32 $0xFFFFFEF7, lr;
	s5 =	simm.s32 $0xFFFFFFFF;
	p2 =	slt.u32 s8, $0xFFFFF086  }
0x1c: {  	p1 =	slt.u32 s9, $0xF7A;
	s5 =	simm.s32 @!p2 $0x0  }
0x1d: {  	s5 =	simm.s32 @p1 $0x1;
	p0 =	seq.s32 s7, s2  }
0x1e: {  	s7 =	smul.u32 @!p0 $0xF7A, s2;
	p2 =	seq.s32 @!p0 s5, $0x0  }
0x1f: {  	s9 =	smul.u32 $0xF7A, s1;
	s8 =	simm.s32 @!p0 $0x1BF5;
	p2 =	por !p2, p0  }
0x20: {  	[sflag:s8] =	ssyncset.s32 @!p0 $0xFFFFF086;
	s6 =	sadd.s32 @!p0 s3, s7;
	s7 =	simm.s32 @!p0 $0x108  }
0x21: {  	s3 =	sadd.s32 s3, s9;
	s6 =	sadd.s32 @!p0 $0x88, s6;
	s7 =	simm.s32 @p2 $0x1082  }
0x22: {  	[simem:s7], [sflag:s8] =	dma.local @!p0 [hbm:s6], $0xF7A  }
0x23: {  	s9 =	sor.u32 $0xD0000000, s2;
	s6 =	simm.s32 $0x108;
	_ =	swait.ge @!p0 [sflag:s8], $0x0  }
0x24: {  	s3 =	sadd.s32 $0x88, s3;
	s6 =	simm.s32 @!p1 $0x1082;
	[sflag:s4] =	ssyncset.s32 $0xFFFFF086  }
0x25: {  	[simem:s6], [sflag:s4] =	dma.local [hbm:s3], $0xF7A  }
0x26: {  	[smem:$0x3F9E] =	sst s1;
	(tag) =	ssettag s2;
	_ =	strace s9  }
0x27: {  	s1 =	sld [smem:$0x3FAE]  }
0x28: {  	s2 =	sld [smem:$0x3FAF]  }
0x29: {  	s4 =	sld [smem:$0x3FB1]  }
0x2a: {  	p0 =	seq.s32 s5, $0x0;
	s5 =	sld [smem:$0x3FB2]  }
0x2b: {  	s6 =	sld [smem:$0x3FB3]  }
0x2c: {  	s7 =	sld [smem:$0x3FB4]  }
0x2d: {  	s3 =	simm.s32 $0x108;
	s8 =	sld [smem:$0x3FB5]  }
0x2e: {  	s3 =	simm.s32 @!p0 $0x1082;
	s9 =	sld [smem:$0x3FB6]  }
0x2f: {  	lr =	sadd.s32 s0, s3;
	s0 =	sld [smem:$0x3FAD]  }
0x30: {  	s3 =	sld [smem:$0x3FB0]  }
0x31: {  	[smem:$0x3FB9] =	sst s10  }
0x32: {  	s10 =	sld [smem:$0x3FB7];
	_ =	sdelay $0x3  }
0x33: {  	p0 =	seq.s32 s10, $0x1;
	s10 =	sld [smem:$0x3FB9];
	_ =	sdelay $0x3  }
0x34: {  	[smem:$0x3FB9] =	sst s10  }
0x35: {  	s10 =	sld [smem:$0x3FB8];
	_ =	sdelay $0x3  }
0x36: {  	p1 =	seq.s32 s10, $0x1;
	s10 =	sld [smem:$0x3FB9];
	_ =	sdelay $0x3  }
0x37: {  	[smem:$0x3FB9] =	sst s10  }
0x38: {  	s10 =	sld [smem:$0x3FBA]  }
0x39: {  	_ = 	snop;
	(pc) =	sbr.ind lr, $3  }
0x3a: {  	_ = 	snop  }
0x3b: {  	_ = 	snop  }
0x3c: {  	p2 =	seq.s32 s10, $0x1;
	s10 =	sld [smem:$0x3FB9]  }
0x3d: {  	_ =	shalt  }
0x3e: {  	_ =	shalt  }
0x3f: {  	_ =	shalt  }
0x40: {  	_ =	shalt  }
0x41: {  	_ =	shalt  }
0x42: {  	_ =	shalt  }
0x43: {  	_ =	shalt  }
0x44: {  	_ =	shalt  }
0x45: {  	_ =	shalt  }
0x46: {  	_ =	shalt  }
0x47: {  	_ =	shalt  }
0x48: {  	_ =	shalt  }
0x49: {  	_ =	shalt  }
0x4a: {  	_ =	shalt  }
0x4b: {  	_ =	shalt  }
0x4c: {  	_ =	shalt  }
0x4d: {  	_ =	shalt  }
0x4e: {  	_ =	shalt  }
0x4f: {  	_ =	shalt  }
0x50: {  	_ =	shalt  }
0x51: {  	_ =	shalt  }
0x52: {  	_ =	shalt  }
0x53: {  	_ =	shalt  }
0x54: {  	_ =	shalt  }
0x55: {  	_ =	shalt  }
0x56: {  	_ =	shalt  }
0x57: {  	_ =	shalt  }
0x58: {  	_ =	shalt  }
0x59: {  	_ =	shalt  }
0x5a: {  	_ =	shalt  }
0x5b: {  	_ =	shalt  }
0x5c: {  	_ =	shalt  }
0x5d: {  	_ =	shalt  }
0x5e: {  	_ =	shalt  }
0x5f: {  	_ =	shalt  }
0x60: {  	_ =	shalt  }
0x61: {  	_ =	shalt  }
0x62: {  	_ =	shalt  }
0x63: {  	_ =	shalt  }
0x64: {  	_ =	shalt  }
0x65: {  	_ =	shalt  }
0x66: {  	_ =	shalt  }
0x67: {  	_ =	shalt  }
0x68: {  	_ =	shalt  }
0x69: {  	_ =	shalt  }
0x6a: {  	_ =	shalt  }
0x6b: {  	_ =	shalt  }
0x6c: {  	_ =	shalt  }
0x6d: {  	_ =	shalt  }
0x6e: {  	_ =	shalt  }
0x6f: {  	_ =	shalt  }
0x70: {  	_ =	shalt  }
0x71: {  	_ =	shalt  }
0x72: {  	_ =	shalt  }
0x73: {  	_ =	shalt  }
0x74: {  	_ =	shalt  }
0x75: {  	_ =	shalt  }
0x76: {  	_ =	shalt  }
0x77: {  	_ =	shalt  }
0x78: {  	_ =	shalt  }
0x79: {  	_ =	shalt  }
0x7a: {  	_ =	shalt  }
0x7b: {  	_ =	shalt  }
0x7c: {  	_ =	shalt  }
0x7d: {  	_ =	shalt  }
0x7e: {  	_ =	shalt  }
0x7f: {  	_ =	shalt  }
0x80: {  	_ =	shalt  }
0x81: {  	_ =	shalt  }
0x82: {  	_ =	shalt  }
0x83: {  	_ =	shalt  }
0x84: {  	_ =	shalt  }
0x85: {  	_ =	shalt  }
0x86: {  	_ =	shalt  }
0x87: {  	_ =	shalt  }
.Lfunc_end0:
.L_simem_size_0:
called_computation.2_lowered:
.L_overlay_start_0:
0x88: {  	s0 =	sld [smem:$0x3FD9]  }
0x89: {  	s1 =	sld [smem:$0x3FFE];
	_ =	sdelay $0x3  }
0x8a: {  	s0 =	sadd.s32 s1, s0  }
0x8b: {  	[smem:$0x3FC5] =	sst s0  }
0x8c: {  	_ = 	snop  }
0x8d: {  	(tm) =	ssettm $0x1  }
0x8e: {  	s15 =	sld [smem:$0x3FFB];
	_ =	sdelay $0x3  }
0x8f: {  	_ =	strace s15  }
0x90: {  	s0 =	sld [smem:$0x3FFC];
	_ =	sdelay $0x3  }
0x91: {  	_ =	strace s0  }
0x92: {  	s0 =	sld [smem:$0x3FFD];
	_ =	sdelay $0x3  }
0x93: {  	_ =	strace s0  }
0x94: {  	_ =	strace $0x8FFFFFFF  }
0x95: {  	s16 =	sld [smem:$0x3FDB];
	_ =	sdelay $0x1  }
0x96: {  	s17 =	simm.s32 $_scs_section_size  }
0x97: {  	s2 =	simm.s32 $_size__tile_overlayer_lowered;
	s3 =	simm.s32 $_tile_overlayer_lowered  }
0x98: {  	s20 =	simm.s32 $0x1BFF;
	s19 =	sshll.u32 s3, $0x1;
	s0 =	sadd.s32 s17, s16  }
0x99: {  	s4 =	simm.s32 $0x0;
	s18 =	sshll.u32 s2, $0x1;
	s2 =	sadd.s32 s19, s0  }
0x9a: {  	[timem:s4], [sflag:s20] =	dma.local [hbm:s2], s18  }
0x9b: {  	_ =	swait.ge [sflag:s20], s18  }
0x9c: {  	s1 =	ssub.s32 $0x0, s18;
	[sflag:s20] =	ssyncset.done $0x0  }
0x9d: {  	[sflag:s20] =	ssyncadd.s32 s1;
	_ =	sdelay $0x1  }
0x9e: {  	s21 =	simm.s32 $0x1B8B  }
0x9f: {  	_ =	swait.ge [sflag:s21], $0x1  }
0xa0: {  	[sflag:s21] =	ssyncset.done $0x0  }
0xa1: {  	s23 =	simm.s32 $0x1B8E;
	s22 =	sld [smem:$0x3FFE];
	[sflag:s21] =	ssyncadd.s32 $0xFFFFFFFF  }
0xa2: {  	s24 =	simm.s32 $execute0_lowered;
	[smem:$0x3FD2] =	sst s23  }
0xa3: {  	s2 =	sshll.u32 s24, $0x1;
	_ =	strace $0x80000049;
	[dreg:$0x1] =	wrdreg $0xFFFFFFFF  }
0xa4: {  	s25 =	simm.s32 $_size_execute0_lowered;
	s0 =	sadd.s32 s0, s2;
	[dreg:$0x0] =	wrdreg $0x0  }
0xa5: {  	s2 =	sshll.u32 s25, $0x1;
	[dreg:$0x2] =	wrdreg s0  }
0xa6: {  	[dreg:$0x3] =	wrdreg s2  }
0xa7: {  	[dreg:$0x4] =	wrdreg $0xC0  }
0xa8: {  	_ =	task [dreg:s4], $0x5FFFF  }
0xa9: {  	[dreg:$0x1] =	wrdreg $0xFFFFFFFF  }
0xaa: {  	[dreg:$0x0] =	wrdreg $0x60  }
0xab: {  	[dreg:$0x2] =	wrdreg s22  }
0xac: {  	[dreg:$0x3] =	wrdreg $0x9  }
0xad: {  	_ =	task.clear_ibuf [dreg:s4], $0x4FFFF;
	_ =	strace $0x90000049  }
0xae: {  	s26 =	simm.s32 $0x9;
	_ =	strace $0x8000004B  }
0xaf: {  	_ =	swait.ge [sflag:s26], $0x1  }
0xb0: {  	[sflag:s26] =	ssyncadd.s32 $0xFFFFFFFF  }
0xb1: {  	_ =	strace $0x9000004B  }
0xb2: {  	_ =	sfence  }
0xb3: {  	s28 =	sld [smem:$0x0];
	_ =	sdelay $0x1  }
0xb4: {  	s29 =	srdreg.scid  }
0xb5: {  	s30 =	sshll.u32 s29, $0xD;
	s31 =	sshrl.u32 s29, $0x2  }
0xb6: {  	s1 =	sand.u32 $0x1, s29;
	s2 =	sand.u32 $0x4000, s30;
	s0 =	sadd.s32 s31, s28  }
0xb7: {  	s1 =	sor.u32 s2, s1;
	s0 =	sshll.u32 s0, $0x11  }
0xb8: {  	s0 =	sor.u32 s0, s1  }
0xb9: {  	s0 =	sadd.s32 $0x8F2B, s0  }
0xba: {  	[sflag:s0] =	ssyncadd.remote.s32 $0x1  }
0xbb: {  	_ =	sfence.sel $0xFFFF  }
0xbc: {  	[dreg:$0x0] =	wrdreg $0xFFFFFFFF;
	(pc) =	sbr.abs _section_cstart, $3  }
0xbd: {  	[dreg:$0x1] =	wrdreg $0xFFFFFFFF  }
0xbe: {  	_ =	task.clear_ibuf [dreg:s4], $0x2FFFF;
	_ =	strace $0x9FFFFFFF  }
0xbf: {  	(tm) =	ssettm $0x7FFFFFFF  }
tec
execute0_lowered:
.L_overlay_start_1:
0x0: {  	(tag) =	ssettag $0x1  }
0x1: {  	s2 =	rddreg [dreg:$0x0]  }
0x2: {  	s0 =	rddreg [dreg:$0x1]  }
0x3: {  	_ =	strace $0x8000004A;
	s4 =	simm.s32 $0x1;
	s1 =	stileid.u32  }
0x4: {  	s7 =	simm.s32 $0x1;
	s8 =	simm.s32 $0x1;
	s6 =	simm.s32 $0x2  }
0x5: {  	s9 =	simm.s32 $0x3;
	s10 =	simm.s32 $0x0;
	s13 =	simm.s32 $0x0  }
.Ltmp0:
0x6: {  	s12 =	simm.s32 $0x0;
	p0 =	slt.u32 s1, $0xA;
	(pc) =	sbr.rel .LBB2_1-.Ltmp0, $4  }
0x7: {  	[sflag:s4] =	ssyncpa.u1 $0x0;
	s7 =	simm.s32 @!p0 $0x0;
	p0 =	sne.s32 s1, $0x9  }
0x8: {  	s5 =	smul.u32 $0xF0, s1;
	[sflag:s6] =	ssyncpa.u1 $0x0;
	s8 =	simm.s32 @!p0 $0x0  }
0x9: {  	s3 =	sadd.s32 $0x3200, s2;
	[sflag:s9] =	ssyncpa.u1 $0x0;
	s7 =	sadd.s32 s8, s7  }
0xa: {  	vm0 =	vmmov $0xffff;
	s11 =	smov.u32 s5;
	s8 =	sadd.s32 $0x3600, s2;
	s9 =	sadd.s32 $0x1, s7  }
.LBB2_4:
0xb: {  	v2 =	vnsel vm1, $0x0, v2  }
0xc: {  	vm1 =	vgt.s32 v0, $0x0;
	v2 =	vmin.u32 v2, $0x15F8F  }
0xd: {  	v0 =	vnsel vm1, $0x0, v0  }
0xe: {  	v0 =	vmin.u32 v0, $0x15F8F  }
0xf: {  	[tilespmem:s18], [sflag:$0x1] =	stream.indirect_vreg.gather [hbm4b:s2+s10], $0x1, v1, vm0, $0x4038;
	[tilespmem:$0x3C0] =	vst v63  }
0x10: {  	(ifvalue) =	ssetifvalue $0x7FFFFFFF  }
0x11: {  	[tilespmem:s15], [sflag:$0x1] =	stream.indirect_vreg.gather [hbm4b:s2+s10], $0x1, v2, vm0, $0x4038;
	[tilespmem:$0x3C0] =	vst v63  }
0x12: {  	s29 =	sadd.s32 $0x10, s15;
	(ifvalue) =	ssetifvalue $0x7FFFFFFF  }
0x13: {  	[tilespmem:s29], [sflag:$0x1] =	stream.indirect_vreg.gather [hbm4b:s2+s10], $0x1, v0, vm0, $0x4038;
	[tilespmem:$0x3C0] =	vst v63  }
0x14: {  	_ =	swait.ge [sflag:s4], $0xF0  }
0x15: {  	s30 =	sshrl.u32 s13, $0x3;
	[sflag:s4] =	ssyncset.done $0x0  }
0x16: {  	s31 =	sand.u32 $0x7, s13;
	s15 =	sadd.s32 s8, s30;
	[sflag:s4] =	ssyncadd.s32 $0xFFFFFF10  }
0x17: {  	[hbm4b:s15+s31] =	stream.linear.scatter [tilespmem:s14], [sflag:$0x3], $0xF0, $0x38;
	[tilespmem:$0x3C0] =	vst v63  }
.LBB2_5:
0x18: {  	s15 =	sadd.s32 $0xF00, s11  }
0x19: {  	p1 =	sgt.s32 s15, $0x176F  }
0x1a: {  	s15 =	smov.u32 @p1 s5;
	p1 =	sne.s32 s12, s9  }
.Ltmp1:
0x1b: {  	p0 =	slt.u32 s12, $0x2;
	(pc) =	sbr.rel @!p1 .LBB2_6-.Ltmp1, $4  }
0x1c: {  	s14 =	simm.s32 @!p0 $0x3  }
0x1d: {  	_ =	swait.ge @!p0 [sflag:s14], $0xF0  }
0x1e: {  	s16 =	sadd.s32 $0x1, s12;
	s13 =	smov.u32 s11;
	[sflag:s14] =	ssyncset.done @!p0 $0x0  }
0x1f: {  	s12 =	smov.u32 s16;
	s11 =	smov.u32 s15;
	[sflag:s14] =	ssyncadd.s32 @!p0 $0xFFFFFF10  }
.LBB2_1:
0x20: {  	p0 =	sge.u32 s12, s7  }
0x21: {  	s14 =	sxor.u32 @!p0 $0x1, s12  }
0x22: {  	s14 =	smul.u32 @!p0 $0x3C0, s14  }
0x23: {  	s31 =	sadd.s32 $0xFFFFFFFF, s12;
	s15 =	sshrl.u32 @!p0 s11, $0x3  }
0x24: {  	s16 =	sand.u32 @!p0 $0x7, s11;
	s15 =	sadd.s32 @!p0 s3, s15;
	s14 =	sshra.s32 @!p0 s14, $0x2  }
0x25: {  	[tilespmem:s14], [sflag:$0x2] =	stream.linear.gather @!p0 [hbm4b:s15+s16], $0xF0, $0x38;
	[tilespmem:$0x3C0] =	vst v63  }
0x26: {  	p0 =	sge.u32 s31, s7  }
.Ltmp2:
0x27: {  	_ = 	snop;
	(pc) =	sbr.rel @p0 .LBB2_5-.Ltmp2, $1  }
0x28: {  	_ =	sdelay $0x3  }
0x29: {  	s14 =	sand.u32 $0x1, s12  }
0x2a: {  	_ =	swait.ge [sflag:s6], $0xF0;
	p0 =	seq.s32 s14, $0x1;
	s14 =	simm.s32 $0xF0  }
0x2b: {  	[sflag:s6] =	ssyncset.done $0x0;
	s14 =	simm.s32 @!p0 $0x0  }
0x2c: {  	[sflag:s6] =	ssyncadd.s32 $0xFFFFFF10;
	(ifvalue) =	ssetifvalue $0x7FFFFFFF;
	v0 =	vld.msk [tilespmem:s14+$0x0 ss:$0x1], $0xffff;
	_ =	sdelay $0x4  }
0x2d: {  	s15 =	sadd.s32 $0x10, s14;
	vm1 =	vgt.s32 v0, $0x0  }
0x2e: {  	v2 =	vld.msk [tilespmem:s15+$0x0 ss:$0x1], $0xffff;
	v1 =	vnsel vm1, $0x0, v0  }
0x2f: {  	v1 =	vmin.u32 v1, $0x15F8F;
	_ =	sdelay $0x2  }
0x30: {  	s17 =	simm.s32 $0x20;
	s14 =	sadd.s32 $0x1E0, s14;
	s16 =	sadd.s32 $0x10, s15  }
0x31: {  	s15 =	sadd.s32 $0x10, s14;
	s18 =	smov.u32 s14;
	v0 =	vld.msk [tilespmem:s16+$0x0 ss:$0x1], $0xffff;
	vm1 =	vgt.s32 v2, $0x0;
	(ifvalue) =	ssetifvalue $0x7FFFFFFF  }
.LBB2_3:
0x32: {  	[tilespmem:s18], [sflag:$0x1] =	stream.indirect_vreg.gather [hbm4b:s2+s10], $0x1, v1, vm0, $0x4038;
	[tilespmem:$0x3C0] =	vst v63  }
0x33: {  	s17 =	sadd.s32 $0x10, s17  }
0x34: {  	v2 =	vnsel vm1, $0x0, v2;
	p0 =	slt.u32 s17, $0xE0  }
.Ltmp3:
0x35: {  	s18 =	smov.u32 s15;
	v1 =	vmin.u32 v2, $0x15F8F;
	(pc) =	sbr.rel @p0 .LBB2_3-.Ltmp3, $3  }
0x36: {  	_ =	sdelay $0x1  }
0x37: {  	s16 =	sadd.s32 $0x10, s16  }
0x38: {  	vm1 =	vgt.s32 v0, $0x0;
	s15 =	sadd.s32 $0x10, s15;
	v2 =	vmov v0;
	(ifvalue) =	ssetifvalue $0x7FFFFFFF;
	v0 =	vld.msk [tilespmem:s16+$0x0 ss:$0x1], $0xffff  }
.Ltmp4:
0x39: {  	_ = 	snop;
	(pc) =	sbr.rel .LBB2_4-.Ltmp4, $1  }
0x3a: {  	_ =	sdelay $0x3  }
.LBB2_6:
0x3b: {  	_ =	sfence.sel $0x180000  }
0x3c: {  	s2 =	simm.s32 $0x2;
	[bflag:$0x0] =	sbarrier.arrive $0xFFFF  }
0x3d: {  	s30 =	simm.s32 $0x3;
	[sflag:s2] =	ssyncpa.u1 $0x1  }
0x3e: {  	s31 =	simm.s32 $0x1;
	[sflag:s30] =	ssyncpa.u1 $0x1  }
0x3f: {  	[sflag:s31] =	ssyncpa.u1 $0x1  }
0x40: {  	p0 =	sne.s32 s1, $0x0;
	_ =	strace $0x9000004A  }
0x41: {  	s0 =	sadd.s32 @!p0 $0x100000, s0;
	[bflag:$0x2] =	sbarrier.arrive $0xFFFF  }
0x42: {  	[sflag:s0] =	ssyncadd.tile.s32 @!p0 $0x1;
	_ =	shalt  }
.Lfunc_end2:
_tile_overlayer_lowered:
.L_overlay_start_2:
0x43: {  	(tag) =	ssettag $0x2  }
0x44: {  	s0 =	rddreg [dreg:$0x0];
	s2 =	stileid.u32  }
0x45: {  	s1 =	rddreg [dreg:$0x1];
	p0 =	sne.s32 s2, $0x0  }
0x46: {  	s3 =	rddreg [dreg:$0x2];
	[bflag:$0x3] =	sbarrier.arrive $0xFFFF;
	s2 =	simm.s32 @!p0 $0x1C01  }
0x47: {  	[timem:s3], [sflag:s2] =	dma.local @!p0 [hbm:s0], s1  }
0x48: {  	s0 =	simm.s32 @!p0 $0x1  }
0x49: {  	_ =	swait.ge @!p0 [sflag:s0], s1  }
0x4a: {  	s1 =	ssub.s32 @!p0 $0x0, s1;
	[sflag:s0] =	ssyncset.done @!p0 $0x0  }
0x4b: {  	[sflag:s0] =	ssyncadd.s32 @!p0 s1  }
0x4c: {  	[bflag:$0x3] =	sbarrier.arrive $0xFFFF  }
0x4d: {  	_ =	shalt  }

// kernel: scatter_offload_async_start.1
scs
__scs_entry_jumppad:
0x0: {  	(pc) =	sbr.rel $0x88, $3  }
0x1: {  	(tag) =	ssettag $0x0;
	lr =	simm.s32 $0x1  }
0x2: {  	[smem:$0x3F9E] =	sst lr;
	_ =	strace $0xD0000000  }
0x3: {  	_ = 	snop  }
0x4: {  	_ = 	snop  }
0x5: {  	_ = 	snop  }
0x6: {  	_ = 	snop  }
0x7: {  	_ = 	snop  }
__scs_overlays_trampoline_lowered:
0x8: {  	[smem:$0x3FAD] =	sst s0  }
0x9: {  	[smem:$0x3FAE] =	sst s1  }
0xa: {  	[smem:$0x3FAF] =	sst s2  }
0xb: {  	[smem:$0x3FB0] =	sst s3  }
0xc: {  	[smem:$0x3FB1] =	sst s4  }
0xd: {  	[smem:$0x3FB2] =	sst s5  }
0xe: {  	[smem:$0x3FB3] =	sst s6  }
0xf: {  	[smem:$0x3FB4] =	sst s7  }
0x10: {  	[smem:$0x3FB5] =	sst s8  }
0x11: {  	[smem:$0x3FB6] =	sst s9;
	s0 =	simm.s32 @!p0 $0x0  }
0x12: {  	s1 =	sld [smem:$0x3F9C];
	s0 =	simm.s32 @p0 $0x1  }
0x13: {  	[smem:$0x3FB7] =	sst s0;
	s0 =	simm.s32 @!p1 $0x0  }
0x14: {  	s2 =	sld [smem:$0x3F9B];
	s0 =	simm.s32 @p1 $0x1  }
0x15: {  	[smem:$0x3FB8] =	sst s0;
	s0 =	simm.s32 @!p2 $0x0  }
0x16: {  	s3 =	sld [smem:$0x3FDB];
	s0 =	simm.s32 @p2 $0x1  }
0x17: {  	s4 =	simm.s32 $0x1BF5;
	[smem:$0x3FBA] =	sst s0  }
0x18: {  	s0 =	sld [smem:$0x3F9D];
	_ =	swait.ge [sflag:s4], $0x0  }
0x19: {  	s7 =	sld [smem:$0x3F9E]  }
0x1a: {  	s8 =	sadd.s32 $0xFFFFE003, lr  }
0x1b: {  	s9 =	sadd.s32 $0xFFFFFEF7, lr;
	s5 =	simm.s32 $0xFFFFFFFF;
	p2 =	slt.u32 s8, $0xFFFFF086  }
0x1c: {  	p1 =	slt.u32 s9, $0xF7A;
	s5 =	simm.s32 @!p2 $0x0  }
0x1d: {  	s5 =	simm.s32 @p1 $0x1;
	p0 =	seq.s32 s7, s2  }
0x1e: {  	s7 =	smul.u32 @!p0 $0xF7A, s2;
	p2 =	seq.s32 @!p0 s5, $0x0  }
0x1f: {  	s9 =	smul.u32 $0xF7A, s1;
	s8 =	simm.s32 @!p0 $0x1BF5;
	p2 =	por !p2, p0  }
0x20: {  	[sflag:s8] =	ssyncset.s32 @!p0 $0xFFFFF086;
	s6 =	sadd.s32 @!p0 s3, s7;
	s7 =	simm.s32 @!p0 $0x108  }
0x21: {  	s3 =	sadd.s32 s3, s9;
	s6 =	sadd.s32 @!p0 $0x88, s6;
	s7 =	simm.s32 @p2 $0x1082  }
0x22: {  	[simem:s7], [sflag:s8] =	dma.local @!p0 [hbm:s6], $0xF7A  }
0x23: {  	s9 =	sor.u32 $0xD0000000, s2;
	s6 =	simm.s32 $0x108;
	_ =	swait.ge @!p0 [sflag:s8], $0x0  }
0x24: {  	s3 =	sadd.s32 $0x88, s3;
	s6 =	simm.s32 @!p1 $0x1082;
	[sflag:s4] =	ssyncset.s32 $0xFFFFF086  }
0x25: {  	[simem:s6], [sflag:s4] =	dma.local [hbm:s3], $0xF7A  }
0x26: {  	[smem:$0x3F9E] =	sst s1;
	(tag) =	ssettag s2;
	_ =	strace s9  }
0x27: {  	s1 =	sld [smem:$0x3FAE]  }
0x28: {  	s2 =	sld [smem:$0x3FAF]  }
0x29: {  	s4 =	sld [smem:$0x3FB1]  }
0x2a: {  	p0 =	seq.s32 s5, $0x0;
	s5 =	sld [smem:$0x3FB2]  }
0x2b: {  	s6 =	sld [smem:$0x3FB3]  }
0x2c: {  	s7 =	sld [smem:$0x3FB4]  }
0x2d: {  	s3 =	simm.s32 $0x108;
	s8 =	sld [smem:$0x3FB5]  }
0x2e: {  	s3 =	simm.s32 @!p0 $0x1082;
	s9 =	sld [smem:$0x3FB6]  }
0x2f: {  	lr =	sadd.s32 s0, s3;
	s0 =	sld [smem:$0x3FAD]  }
0x30: {  	s3 =	sld [smem:$0x3FB0]  }
0x31: {  	[smem:$0x3FB9] =	sst s10  }
0x32: {  	s10 =	sld [smem:$0x3FB7];
	_ =	sdelay $0x3  }
0x33: {  	p0 =	seq.s32 s10, $0x1;
	s10 =	sld [smem:$0x3FB9];
	_ =	sdelay $0x3  }
0x34: {  	[smem:$0x3FB9] =	sst s10  }
0x35: {  	s10 =	sld [smem:$0x3FB8];
	_ =	sdelay $0x3  }
0x36: {  	p1 =	seq.s32 s10, $0x1;
	s10 =	sld [smem:$0x3FB9];
	_ =	sdelay $0x3  }
0x37: {  	[smem:$0x3FB9] =	sst s10  }
0x38: {  	s10 =	sld [smem:$0x3FBA]  }
0x39: {  	_ = 	snop;
	(pc) =	sbr.ind lr, $3  }
0x3a: {  	_ = 	snop  }
0x3b: {  	_ = 	snop  }
0x3c: {  	p2 =	seq.s32 s10, $0x1;
	s10 =	sld [smem:$0x3FB9]  }
0x3d: {  	_ =	shalt  }
0x3e: {  	_ =	shalt  }
0x3f: {  	_ =	shalt  }
0x40: {  	_ =	shalt  }
0x41: {  	_ =	shalt  }
0x42: {  	_ =	shalt  }
0x43: {  	_ =	shalt  }
0x44: {  	_ =	shalt  }
0x45: {  	_ =	shalt  }
0x46: {  	_ =	shalt  }
0x47: {  	_ =	shalt  }
0x48: {  	_ =	shalt  }
0x49: {  	_ =	shalt  }
0x4a: {  	_ =	shalt  }
0x4b: {  	_ =	shalt  }
0x4c: {  	_ =	shalt  }
0x4d: {  	_ =	shalt  }
0x4e: {  	_ =	shalt  }
0x4f: {  	_ =	shalt  }
0x50: {  	_ =	shalt  }
0x51: {  	_ =	shalt  }
0x52: {  	_ =	shalt  }
0x53: {  	_ =	shalt  }
0x54: {  	_ =	shalt  }
0x55: {  	_ =	shalt  }
0x56: {  	_ =	shalt  }
0x57: {  	_ =	shalt  }
0x58: {  	_ =	shalt  }
0x59: {  	_ =	shalt  }
0x5a: {  	_ =	shalt  }
0x5b: {  	_ =	shalt  }
0x5c: {  	_ =	shalt  }
0x5d: {  	_ =	shalt  }
0x5e: {  	_ =	shalt  }
0x5f: {  	_ =	shalt  }
0x60: {  	_ =	shalt  }
0x61: {  	_ =	shalt  }
0x62: {  	_ =	shalt  }
0x63: {  	_ =	shalt  }
0x64: {  	_ =	shalt  }
0x65: {  	_ =	shalt  }
0x66: {  	_ =	shalt  }
0x67: {  	_ =	shalt  }
0x68: {  	_ =	shalt  }
0x69: {  	_ =	shalt  }
0x6a: {  	_ =	shalt  }
0x6b: {  	_ =	shalt  }
0x6c: {  	_ =	shalt  }
0x6d: {  	_ =	shalt  }
0x6e: {  	_ =	shalt  }
0x6f: {  	_ =	shalt  }
0x70: {  	_ =	shalt  }
0x71: {  	_ =	shalt  }
0x72: {  	_ =	shalt  }
0x73: {  	_ =	shalt  }
0x74: {  	_ =	shalt  }
0x75: {  	_ =	shalt  }
0x76: {  	_ =	shalt  }
0x77: {  	_ =	shalt  }
0x78: {  	_ =	shalt  }
0x79: {  	_ =	shalt  }
0x7a: {  	_ =	shalt  }
0x7b: {  	_ =	shalt  }
0x7c: {  	_ =	shalt  }
0x7d: {  	_ =	shalt  }
0x7e: {  	_ =	shalt  }
0x7f: {  	_ =	shalt  }
0x80: {  	_ =	shalt  }
0x81: {  	_ =	shalt  }
0x82: {  	_ =	shalt  }
0x83: {  	_ =	shalt  }
0x84: {  	_ =	shalt  }
0x85: {  	_ =	shalt  }
0x86: {  	_ =	shalt  }
0x87: {  	_ =	shalt  }
.Lfunc_end0:
.L_simem_size_0:
called_computation.1_lowered:
.L_overlay_start_0:
0x88: {  	s0 =	sld [smem:$0x3FD9]  }
0x89: {  	s1 =	sld [smem:$0x3FFE];
	_ =	sdelay $0x3  }
0x8a: {  	s0 =	sadd.s32 s1, s0  }
0x8b: {  	[smem:$0x3FC5] =	sst s0  }
0x8c: {  	_ = 	snop  }
0x8d: {  	s0 =	sld [smem:$0x3FD0];
	(tm) =	ssettm $0x1  }
0x8e: {  	s16 =	sld [smem:$0x3FFB];
	_ =	sdelay $0x3  }
0x8f: {  	_ =	strace s16  }
0x90: {  	s1 =	sld [smem:$0x3FFC];
	_ =	sdelay $0x3  }
0x91: {  	_ =	strace s1  }
0x92: {  	s1 =	sld [smem:$0x3FFD];
	_ =	sdelay $0x3  }
0x93: {  	_ =	strace s1  }
0x94: {  	_ =	strace $0x8FFFFFFF  }
0x95: {  	s17 =	sld [smem:$0x3FDB];
	_ =	sdelay $0x1  }
0x96: {  	s2 =	simm.s32 $_scs_section_size  }
0x97: {  	s3 =	simm.s32 $_size__tile_overlayer_lowered;
	s4 =	simm.s32 $_tile_overlayer_lowered  }
0x98: {  	s20 =	simm.s32 $0x1BFF;
	s19 =	sshll.u32 s4, $0x1;
	s1 =	sadd.s32 s2, s17  }
0x99: {  	s5 =	simm.s32 $0x0;
	s18 =	sshll.u32 s3, $0x1;
	s3 =	sadd.s32 s19, s1  }
0x9a: {  	[timem:s5], [sflag:s20] =	dma.local [hbm:s3], s18  }
0x9b: {  	_ =	swait.ge [sflag:s20], s18  }
0x9c: {  	s2 =	ssub.s32 $0x0, s18;
	[sflag:s20] =	ssyncset.done $0x0  }
0x9d: {  	[sflag:s20] =	ssyncadd.s32 s2;
	_ =	sdelay $0x1  }
0x9e: {  	s21 =	simm.s32 $0x1B8B  }
0x9f: {  	_ =	swait.ge [sflag:s21], $0x1  }
0xa0: {  	[sflag:s21] =	ssyncset.done $0x0  }
0xa1: {  	s23 =	simm.s32 $0x1B8E;
	s22 =	sld [smem:$0x3FFE];
	[sflag:s21] =	ssyncadd.s32 $0xFFFFFFFF  }
0xa2: {  	s24 =	simm.s32 $execute0_lowered;
	[smem:$0x3FD2] =	sst s23  }
0xa3: {  	s3 =	sshll.u32 s24, $0x1;
	_ =	strace $0x80000055;
	[dreg:$0x1] =	wrdreg $0xFFFFFFFF  }
0xa4: {  	s25 =	simm.s32 $_size_execute0_lowered;
	s1 =	sadd.s32 s1, s3;
	[dreg:$0x0] =	wrdreg $0x0  }
0xa5: {  	s3 =	sshll.u32 s25, $0x1;
	[dreg:$0x2] =	wrdreg s1  }
0xa6: {  	[dreg:$0x3] =	wrdreg s3  }
0xa7: {  	[dreg:$0x4] =	wrdreg $0xC0  }
0xa8: {  	_ =	task [dreg:s5], $0x5FFFF  }
0xa9: {  	[dreg:$0x1] =	wrdreg $0xFFFFFFFF  }
0xaa: {  	[dreg:$0x0] =	wrdreg $0x60  }
0xab: {  	[dreg:$0x2] =	wrdreg s0  }
0xac: {  	[dreg:$0x3] =	wrdreg s22  }
0xad: {  	[dreg:$0x4] =	wrdreg $0x9  }
0xae: {  	_ =	task.clear_ibuf [dreg:s5], $0x5FFFF;
	_ =	strace $0x90000055  }
0xaf: {  	s26 =	simm.s32 $0x9;
	_ =	strace $0x80000057  }
0xb0: {  	_ =	swait.ge [sflag:s26], $0x1  }
0xb1: {  	[sflag:s26] =	ssyncadd.s32 $0xFFFFFFFF  }
0xb2: {  	_ =	strace $0x90000057  }
0xb3: {  	_ =	sfence  }
0xb4: {  	s28 =	sld [smem:$0x0];
	_ =	sdelay $0x1  }
0xb5: {  	s29 =	srdreg.scid  }
0xb6: {  	s30 =	sshll.u32 s29, $0xD;
	s31 =	sshrl.u32 s29, $0x2  }
0xb7: {  	s2 =	sand.u32 $0x4000, s30;
	s1 =	sand.u32 $0x1, s29;
	s0 =	sadd.s32 s31, s28  }
0xb8: {  	s1 =	sor.u32 s2, s1;
	s0 =	sshll.u32 s0, $0x11  }
0xb9: {  	s0 =	sor.u32 s0, s1  }
0xba: {  	s0 =	sadd.s32 $0x8F2B, s0  }
0xbb: {  	[sflag:s0] =	ssyncadd.remote.s32 $0x1  }
0xbc: {  	_ =	sfence.sel $0xFFFF  }
0xbd: {  	[dreg:$0x0] =	wrdreg $0xFFFFFFFF;
	(pc) =	sbr.abs _section_cstart, $3  }
0xbe: {  	[dreg:$0x1] =	wrdreg $0xFFFFFFFF  }
0xbf: {  	_ =	task.clear_ibuf [dreg:s5], $0x2FFFF;
	_ =	strace $0x9FFFFFFF  }
0xc0: {  	(tm) =	ssettm $0x7FFFFFFF  }
0xc1: {  	_ =	shalt  }
tec
execute0_lowered:
.L_overlay_start_1:
0x0: {  	(tag) =	ssettag $0x1  }
0x1: {  	s1 =	rddreg [dreg:$0x0]  }
0x2: {  	s7 =	rddreg [dreg:$0x1]  }
0x3: {  	s0 =	rddreg [dreg:$0x2]  }
0x4: {  	s3 =	stileid.u32;
	_ =	strace $0x80000056;
	s5 =	simm.s32 $0x3E  }
0x5: {  	p0 =	sne.s32 s3, $0x0;
	[sflag:s5] =	ssyncpa.u1 $0x0  }
0x6: {  	s31 =	smin.u32 s3, $0x9;
	s2 =	simm.s32 @!p0 $0x1C3E;
	s4 =	simm.s32 @!p0 $0x0  }
0x7: {  	[spmem:s4], [sflag:s2] =	dma.local @!p0 [hbm:s1], $0x40  }
0x8: {  	s2 =	sadd.s32 s3, s31  }
0x9: {  	p1 =	slt.u32 s3, $0x9;
	s3 =	simm.s32 $0x1E0;
	s2 =	smul.u32 $0xF0, s2  }
0xa: {  	s3 =	simm.s32 @!p1 $0xF0  }
0xb: {  	s3 =	sadd.s32 s3, s2  }
0xc: {  	s3 =	smin.u32 s3, $0x1770  }
0xd: {  	s6 =	ssub.s32 s3, s2  }
0xe: {  	p1 =	sgt.s32 s6, $0x0  }
0xf: {  	s6 =	simm.s32 @!p1 $0x0  }
0x10: {  	s4 =	simm.s32 @!p0 $0x3E;
	s8 =	smul.u32 $0x8889, s6  }
0x11: {  	s10 =	simm.s32 $0x0;
	_ =	swait.ge @!p0 [sflag:s4], $0x40  }
0x12: {  	s11 =	simm.s32 $0x0;
	[sflag:s4] =	ssyncset.done @!p0 $0x0;
	s8 =	sshrl.u32 s8, $0x17  }
0x13: {  	[sflag:s4] =	ssyncadd.s32 @!p0 $0xFFFFFFC0;
	s4 =	sadd.s32 $0x200, s7;
	s9 =	smul.u32 $0xF0, s8  }
.Ltmp0:
0x14: {  	s7 =	sadd.s32 $0x600, s7;
	s12 =	smov.u32 s2;
	(pc) =	sbr.rel .LBB2_1-.Ltmp0, $4  }
0x15: {  	[bflag:$0x0] =	sbarrier.arrive $0xFFFF;
	p1 =	sne.s32 s6, s9;
	s9 =	simm.s32 $0x1  }
0x16: {  	[sflag:s5] =	ssyncpa.u1 $0x1;
	s5 =	simm.s32 $0x1;
	s9 =	simm.s32 @!p1 $0x0  }
0x17: {  	[sflag:s5] =	ssyncpa.u1 $0x0;
	s6 =	simm.s32 $0x2;
	s8 =	sadd.s32 s8, s9  }
0x18: {  	vm0 =	vmmov $0xffff;
	(ifvalue) =	ssetifvalue $0x200;
	[sflag:s6] =	ssyncpa.u1 $0x0;
	s9 =	sadd.s32 $0x1, s8  }
.LBB2_3:
0x19: {  	s11 =	sadd.s32 $0x1, s11  }
0x1a: {  	p2 =	sne.s32 s9, s11  }
.Ltmp1:
0x1b: {  	_ = 	snop;
	(pc) =	sbr.rel @!p2 .LBB2_4-.Ltmp1, $4  }
0x1c: {  	_ = 	snop  }
0x1d: {  	s13 =	sadd.s32 $0xF0, s12  }
0x1e: {  	s12 =	smov.u32 s2;
	p1 =	slt.s32 s13, s3  }
0x1f: {  	s12 =	smov.u32 @p1 s13  }
.LBB2_1:
0x20: {  	p1 =	sge.u32 s11, s8  }
0x21: {  	s13 =	sxor.u32 @!p1 $0xFFFFFFFF, s11  }
0x22: {  	s13 =	sand.u32 @!p1 $0x1, s13  }
0x23: {  	s13 =	smul.u32 @!p1 $0xF0, s13  }
0x24: {  	s14 =	sshrl.u32 @!p1 s12, $0x3  }
0x25: {  	s17 =	sand.u32 @!p1 $0x7, s12;
	s15 =	sadd.s32 @!p1 s4, s14;
	s16 =	sadd.s32 @!p1 $0x20, s13  }
0x26: {  	[tilespmem:s16], [sflag:$0x2] =	stream.linear.gather @!p1 [hbm4b:s15+s17], $0xF0, $0x38;
	[tilespmem:$0x3E0] =	vst v63  }
0x27: {  	s14 =	sadd.s32 @!p1 s7, s14;
	s13 =	sor.u32 @!p1 $0x200, s13  }
0x28: {  	[tilespmem:s13], [sflag:$0x2] =	stream.linear.gather @!p1 [hbm4b:s14+s17], $0xF0, $0x38;
	[tilespmem:$0x3E0] =	vst v63  }
0x29: {  	p1 =	seq.s32 s11, $0x0  }
.Ltmp2:
0x2a: {  	_ = 	snop;
	(pc) =	sbr.rel @p1 .LBB2_3-.Ltmp2, $1  }
0x2b: {  	_ =	sdelay $0x3  }
0x2c: {  	_ =	swait.ge [sflag:s6], $0x1E0;
	s13 =	sand.u32 $0x1, s11  }
0x2d: {  	[sflag:s6] =	ssyncset.done $0x0;
	p1 =	seq.s32 s13, $0x1;
	s13 =	simm.s32 $0xF0  }
0x2e: {  	[sflag:s6] =	ssyncadd.s32 $0xFFFFFE20;
	s13 =	simm.s32 @!p1 $0x0  }
0x2f: {  	v0 =	vld.msk [tilespmem:s13+$0x20 ss:$0x1], $0xffff;
	_ =	sdelay $0x4  }
0x30: {  	v0 =	vmin.u32 v0, $0x200;
	_ =	sdelay $0x3  }
0x31: {  	s14 =	sor.u32 $0x200, s13  }
0x32: {  	[spmem:s10] =	stream.indirect_vreg.scatter.add.s32 [tilespmem:s14], [sflag:$0x1], $0x1, v0, vm0, $0x4038;
	[tilespmem:$0x3E0] =	vst v63  }
0x33: {  	v0 =	vld.msk [tilespmem:s13+$0x30 ss:$0x1], $0xffff;
	_ =	sdelay $0x4  }
0x34: {  	v0 =	vmin.u32 v0, $0x200;
	_ =	sdelay $0x3  }
0x35: {  	s17 =	sadd.s32 $0x210, s13  }
0x36: {  	[spmem:s10] =	stream.indirect_vreg.scatter.add.s32 [tilespmem:s17], [sflag:$0x1], $0x1, v0, vm0, $0x4038;
	[tilespmem:$0x3E0] =	vst v63  }
0x37: {  	v0 =	vld.msk [tilespmem:s13+$0x40 ss:$0x1], $0xffff;
	_ =	sdelay $0x4  }
0x38: {  	v0 =	vmin.u32 v0, $0x200;
	_ =	sdelay $0x3  }
0x39: {  	s18 =	sadd.s32 $0x220, s13  }
0x3a: {  	[spmem:s10] =	stream.indirect_vreg.scatter.add.s32 [tilespmem:s18], [sflag:$0x1], $0x1, v0, vm0, $0x4038;
	[tilespmem:$0x3E0] =	vst v63  }
0x3b: {  	v0 =	vld.msk [tilespmem:s13+$0x50 ss:$0x1], $0xffff;
	_ =	sdelay $0x4  }
0x3c: {  	v0 =	vmin.u32 v0, $0x200;
	_ =	sdelay $0x3  }
0x3d: {  	s19 =	sadd.s32 $0x230, s13  }
0x3e: {  	[spmem:s10] =	stream.indirect_vreg.scatter.add.s32 [tilespmem:s19], [sflag:$0x1], $0x1, v0, vm0, $0x4038;
	[tilespmem:$0x3E0] =	vst v63  }
0x3f: {  	v0 =	vld.msk [tilespmem:s13+$0x60 ss:$0x1], $0xffff;
	_ =	sdelay $0x4  }
0x40: {  	v0 =	vmin.u32 v0, $0x200;
	_ =	sdelay $0x3  }
0x41: {  	s20 =	sadd.s32 $0x240, s13  }
0x42: {  	[spmem:s10] =	stream.indirect_vreg.scatter.add.s32 [tilespmem:s20], [sflag:$0x1], $0x1, v0, vm0, $0x4038;
	[tilespmem:$0x3E0] =	vst v63  }
0x43: {  	v0 =	vld.msk [tilespmem:s13+$0x70 ss:$0x1], $0xffff;
	_ =	sdelay $0x4  }
0x44: {  	v0 =	vmin.u32 v0, $0x200;
	_ =	sdelay $0x3  }
0x45: {  	s21 =	sadd.s32 $0x250, s13  }
0x46: {  	[spmem:s10] =	stream.indirect_vreg.scatter.add.s32 [tilespmem:s21], [sflag:$0x1], $0x1, v0, vm0, $0x4038;
	[tilespmem:$0x3E0] =	vst v63  }
0x47: {  	v0 =	vld.msk [tilespmem:s13+$0x80 ss:$0x1], $0xffff;
	_ =	sdelay $0x4  }
0x48: {  	v0 =	vmin.u32 v0, $0x200;
	_ =	sdelay $0x3  }
0x49: {  	s22 =	sadd.s32 $0x260, s13  }
0x4a: {  	[spmem:s10] =	stream.indirect_vreg.scatter.add.s32 [tilespmem:s22], [sflag:$0x1], $0x1, v0, vm0, $0x4038;
	[tilespmem:$0x3E0] =	vst v63  }
0x4b: {  	v0 =	vld.msk [tilespmem:s13+$0x90 ss:$0x1], $0xffff;
	_ =	sdelay $0x4  }
0x4c: {  	v0 =	vmin.u32 v0, $0x200;
	_ =	sdelay $0x3  }
0x4d: {  	s23 =	sadd.s32 $0x270, s13  }
0x4e: {  	[spmem:s10] =	stream.indirect_vreg.scatter.add.s32 [tilespmem:s23], [sflag:$0x1], $0x1, v0, vm0, $0x4038;
	[tilespmem:$0x3E0] =	vst v63  }
0x4f: {  	v0 =	vld.msk [tilespmem:s13+$0xA0 ss:$0x1], $0xffff;
	_ =	sdelay $0x4  }
0x50: {  	v0 =	vmin.u32 v0, $0x200;
	_ =	sdelay $0x3  }
0x51: {  	s24 =	sadd.s32 $0x280, s13  }
0x52: {  	[spmem:s10] =	stream.indirect_vreg.scatter.add.s32 [tilespmem:s24], [sflag:$0x1], $0x1, v0, vm0, $0x4038;
	[tilespmem:$0x3E0] =	vst v63  }
0x53: {  	v0 =	vld.msk [tilespmem:s13+$0xB0 ss:$0x1], $0xffff;
	_ =	sdelay $0x4  }
0x54: {  	v0 =	vmin.u32 v0, $0x200;
	_ =	sdelay $0x3  }
0x55: {  	s25 =	sadd.s32 $0x290, s13  }
0x56: {  	[spmem:s10] =	stream.indirect_vreg.scatter.add.s32 [tilespmem:s25], [sflag:$0x1], $0x1, v0, vm0, $0x4038;
	[tilespmem:$0x3E0] =	vst v63  }
0x57: {  	v0 =	vld.msk [tilespmem:s13+$0xC0 ss:$0x1], $0xffff;
	_ =	sdelay $0x4  }
0x58: {  	v0 =	vmin.u32 v0, $0x200;
	_ =	sdelay $0x3  }
0x59: {  	s26 =	sadd.s32 $0x2A0, s13  }
0x5a: {  	[spmem:s10] =	stream.indirect_vreg.scatter.add.s32 [tilespmem:s26], [sflag:$0x1], $0x1, v0, vm0, $0x4038;
	[tilespmem:$0x3E0] =	vst v63  }
0x5b: {  	v0 =	vld.msk [tilespmem:s13+$0xD0 ss:$0x1], $0xffff;
	_ =	sdelay $0x4  }
0x5c: {  	v0 =	vmin.u32 v0, $0x200;
	_ =	sdelay $0x3  }
0x5d: {  	s28 =	sadd.s32 $0x2B0, s13  }
0x5e: {  	[spmem:s10] =	stream.indirect_vreg.scatter.add.s32 [tilespmem:s28], [sflag:$0x1], $0x1, v0, vm0, $0x4038;
	[tilespmem:$0x3E0] =	vst v63  }
0x5f: {  	v0 =	vld.msk [tilespmem:s13+$0xE0 ss:$0x1], $0xffff;
	_ =	sdelay $0x4  }
0x60: {  	v0 =	vmin.u32 v0, $0x200;
	_ =	sdelay $0x3  }
0x61: {  	s29 =	sadd.s32 $0x2C0, s13  }
0x62: {  	[spmem:s10] =	stream.indirect_vreg.scatter.add.s32 [tilespmem:s29], [sflag:$0x1], $0x1, v0, vm0, $0x4038;
	[tilespmem:$0x3E0] =	vst v63  }
0x63: {  	v0 =	vld.msk [tilespmem:s13+$0xF0 ss:$0x1], $0xffff;
	_ =	sdelay $0x4  }
0x64: {  	v0 =	vmin.u32 v0, $0x200;
	_ =	sdelay $0x3  }
0x65: {  	s30 =	sadd.s32 $0x2D0, s13;
	s31 =	sor.u32 $0x100, s13  }
0x66: {  	[spmem:s10] =	stream.indirect_vreg.scatter.add.s32 [tilespmem:s30], [sflag:$0x1], $0x1, v0, vm0, $0x4038;
	[tilespmem:$0x3E0] =	vst v63  }
0x67: {  	v0 =	vld.msk [tilespmem:s31+$0x0 ss:$0x1], $0xffff;
	_ =	sdelay $0x4  }
0x68: {  	v0 =	vmin.u32 v0, $0x200;
	_ =	sdelay $0x3  }
.Ltmp3:
0x69: {  	s13 =	sadd.s32 $0x2E0, s13;
	(pc) =	sbr.rel .LBB2_3-.Ltmp3, $4  }
0x6a: {  	[spmem:s10] =	stream.indirect_vreg.scatter.add.s32 [tilespmem:s13], [sflag:$0x1], $0x1, v0, vm0, $0x4038;
	[tilespmem:$0x3E0] =	vst v63  }
0x6b: {  	_ =	swait.ge [sflag:s5], $0xF0  }
0x6c: {  	[sflag:s5] =	ssyncset.done $0x0  }
0x6d: {  	[sflag:s5] =	ssyncadd.s32 $0xFFFFFF10  }
.LBB2_4:
0x6e: {  	_ =	sfence.sel $0x180000  }
0x6f: {  	s2 =	simm.s32 $0x2;
	[bflag:$0x0] =	sbarrier.arrive $0xFFFF  }
0x70: {  	s30 =	simm.s32 $0x1;
	[sflag:s2] =	ssyncpa.u1 $0x1  }
0x71: {  	[sflag:s30] =	ssyncpa.u1 $0x1  }
0x72: {  	_ =	sfence.stream.spmem  }
0x73: {  	s31 =	simm.s32 $0x3D;
	[bflag:$0x0] =	sbarrier.arrive $0xFFFF  }
0x74: {  	s2 =	simm.s32 @p0 $0x3D;
	[sflag:s31] =	ssyncpa.u1 $0x0  }
0x75: {  	[sflag:s2] =	ssyncpa.u1 @p0 $0x1  }
0x76: {  	[bflag:$0x0] =	sbarrier.arrive @p0 $0xFFFF  }
0x77: {  	_ =	strace @p0 $0x90000056  }
0x78: {  	s3 =	simm.s32 @!p0 $0x1C3D;
	s2 =	simm.s32 @!p0 $0x0;
	[bflag:$0x2] =	sbarrier.arrive @p0 $0xFFFF  }
0x79: {  	[hbm:s1], [sflag:s3] =	dma.local @!p0 [spmem:s2], $0x40  }
0x7a: {  	s1 =	simm.s32 @!p0 $0x3D  }
0x7b: {  	_ =	swait.ge @!p0 [sflag:s1], $0x40  }
0x7c: {  	[sflag:s1] =	ssyncset.done @!p0 $0x0  }
0x7d: {  	[sflag:s1] =	ssyncadd.s32 @!p0 $0xFFFFFFC0  }
0x7e: {  	[sflag:s1] =	ssyncpa.u1 @!p0 $0x1  }
0x7f: {  	[bflag:$0x0] =	sbarrier.arrive @!p0 $0xFFFF  }
0x80: {  	_ =	strace @!p0 $0x90000056  }
0x81: {  	s0 =	sadd.s32 @!p0 $0x100000, s0;
	[bflag:$0x2] =	sbarrier.arrive @!p0 $0xFFFF  }
0x82: {  	[sflag:s0] =	ssyncadd.tile.s32 @!p0 $0x1;
	_ =	shalt  }
.Lfunc_end2:
_tile_overlayer_lowered:
.L_overlay_start_2:
0x83: {  	(tag) =	ssettag $0x2  }
0x84: {  	s0 =	rddreg [dreg:$0x0];
	s2 =	stileid.u32  }
0x85: {  	s1 =	rddreg [dreg:$0x1];
	p0 =	sne.s32 s2, $0x0  }
0x86: {  	s3 =	rddreg [dreg:$0x2];
	[bflag:$0x3] =	sbarrier.arrive $0xFFFF;
	s2 =	simm.s32 @!p0 $0x1C01  }
0x87: {  	[timem:s3], [sflag:s2] =	dma.local @!p0 [hbm:s0], s1  }
0x88: {  	s0 =	simm.s32 @!p0 $0x1  }
0x89: {  	_ =	swait.ge @!p0 [sflag:s0], s1  }
0x8a: {  	s1 =	ssub.s32 @!p0 $0x0, s1;
	[sflag:s0] =	ssyncset.done @!p0 $0x0  }
0x8b: {  	[sflag:s0] =	ssyncadd.s32 @!p0 s1  }
0x8c: {  	[bflag:$0x3] =	sbarrier.arrive $0xFFFF  }
0x8d: {  	_ =	shalt  }

// kernel: scatter_offload_async_start
scs
__scs_entry_jumppad:
0x0: {  	(pc) =	sbr.rel $0x88, $3  }
0x1: {  	(tag) =	ssettag $0x0;
	lr =	simm.s32 $0x1  }
0x2: {  	[smem:$0x3F9E] =	sst lr;
	_ =	strace $0xD0000000  }
0x3: {  	_ = 	snop  }
0x4: {  	_ = 	snop  }
0x5: {  	_ = 	snop  }
0x6: {  	_ = 	snop  }
0x7: {  	_ = 	snop  }
__scs_overlays_trampoline_lowered:
0x8: {  	[smem:$0x3FAD] =	sst s0  }
0x9: {  	[smem:$0x3FAE] =	sst s1  }
0xa: {  	[smem:$0x3FAF] =	sst s2  }
0xb: {  	[smem:$0x3FB0] =	sst s3  }
0xc: {  	[smem:$0x3FB1] =	sst s4  }
0xd: {  	[smem:$0x3FB2] =	sst s5  }
0xe: {  	[smem:$0x3FB3] =	sst s6  }
0xf: {  	[smem:$0x3FB4] =	sst s7  }
0x10: {  	[smem:$0x3FB5] =	sst s8  }
0x11: {  	[smem:$0x3FB6] =	sst s9;
	s0 =	simm.s32 @!p0 $0x0  }
0x12: {  	s1 =	sld [smem:$0x3F9C];
	s0 =	simm.s32 @p0 $0x1  }
0x13: {  	[smem:$0x3FB7] =	sst s0;
	s0 =	simm.s32 @!p1 $0x0  }
0x14: {  	s2 =	sld [smem:$0x3F9B];
	s0 =	simm.s32 @p1 $0x1  }
0x15: {  	[smem:$0x3FB8] =	sst s0;
	s0 =	simm.s32 @!p2 $0x0  }
0x16: {  	s3 =	sld [smem:$0x3FDB];
	s0 =	simm.s32 @p2 $0x1  }
0x17: {  	s4 =	simm.s32 $0x1BF5;
	[smem:$0x3FBA] =	sst s0  }
0x18: {  	s0 =	sld [smem:$0x3F9D];
	_ =	swait.ge [sflag:s4], $0x0  }
0x19: {  	s7 =	sld [smem:$0x3F9E]  }
0x1a: {  	s8 =	sadd.s32 $0xFFFFE003, lr  }
0x1b: {  	s9 =	sadd.s32 $0xFFFFFEF7, lr;
	s5 =	simm.s32 $0xFFFFFFFF;
	p2 =	slt.u32 s8, $0xFFFFF086  }
0x1c: {  	p1 =	slt.u32 s9, $0xF7A;
	s5 =	simm.s32 @!p2 $0x0  }
0x1d: {  	s5 =	simm.s32 @p1 $0x1;
	p0 =	seq.s32 s7, s2  }
0x1e: {  	s7 =	smul.u32 @!p0 $0xF7A, s2;
	p2 =	seq.s32 @!p0 s5, $0x0  }
0x1f: {  	s9 =	smul.u32 $0xF7A, s1;
	s8 =	simm.s32 @!p0 $0x1BF5;
	p2 =	por !p2, p0  }
0x20: {  	[sflag:s8] =	ssyncset.s32 @!p0 $0xFFFFF086;
	s6 =	sadd.s32 @!p0 s3, s7;
	s7 =	simm.s32 @!p0 $0x108  }
0x21: {  	s3 =	sadd.s32 s3, s9;
	s6 =	sadd.s32 @!p0 $0x88, s6;
	s7 =	simm.s32 @p2 $0x1082  }
0x22: {  	[simem:s7], [sflag:s8] =	dma.local @!p0 [hbm:s6], $0xF7A  }
0x23: {  	s9 =	sor.u32 $0xD0000000, s2;
	s6 =	simm.s32 $0x108;
	_ =	swait.ge @!p0 [sflag:s8], $0x0  }
0x24: {  	s3 =	sadd.s32 $0x88, s3;
	s6 =	simm.s32 @!p1 $0x1082;
	[sflag:s4] =	ssyncset.s32 $0xFFFFF086  }
0x25: {  	[simem:s6], [sflag:s4] =	dma.local [hbm:s3], $0xF7A  }
0x26: {  	[smem:$0x3F9E] =	sst s1;
	(tag) =	ssettag s2;
	_ =	strace s9  }
0x27: {  	s1 =	sld [smem:$0x3FAE]  }
0x28: {  	s2 =	sld [smem:$0x3FAF]  }
0x29: {  	s4 =	sld [smem:$0x3FB1]  }
0x2a: {  	p0 =	seq.s32 s5, $0x0;
	s5 =	sld [smem:$0x3FB2]  }
0x2b: {  	s6 =	sld [smem:$0x3FB3]  }
0x2c: {  	s7 =	sld [smem:$0x3FB4]  }
0x2d: {  	s3 =	simm.s32 $0x108;
	s8 =	sld [smem:$0x3FB5]  }
0x2e: {  	s3 =	simm.s32 @!p0 $0x1082;
	s9 =	sld [smem:$0x3FB6]  }
0x2f: {  	lr =	sadd.s32 s0, s3;
	s0 =	sld [smem:$0x3FAD]  }
0x30: {  	s3 =	sld [smem:$0x3FB0]  }
0x31: {  	[smem:$0x3FB9] =	sst s10  }
0x32: {  	s10 =	sld [smem:$0x3FB7];
	_ =	sdelay $0x3  }
0x33: {  	p0 =	seq.s32 s10, $0x1;
	s10 =	sld [smem:$0x3FB9];
	_ =	sdelay $0x3  }
0x34: {  	[smem:$0x3FB9] =	sst s10  }
0x35: {  	s10 =	sld [smem:$0x3FB8];
	_ =	sdelay $0x3  }
0x36: {  	p1 =	seq.s32 s10, $0x1;
	s10 =	sld [smem:$0x3FB9];
	_ =	sdelay $0x3  }
0x37: {  	[smem:$0x3FB9] =	sst s10  }
0x38: {  	s10 =	sld [smem:$0x3FBA]  }
0x39: {  	_ = 	snop;
	(pc) =	sbr.ind lr, $3  }
0x3a: {  	_ = 	snop  }
0x3b: {  	_ = 	snop  }
0x3c: {  	p2 =	seq.s32 s10, $0x1;
	s10 =	sld [smem:$0x3FB9]  }
0x3d: {  	_ =	shalt  }
0x3e: {  	_ =	shalt  }
0x3f: {  	_ =	shalt  }
0x40: {  	_ =	shalt  }
0x41: {  	_ =	shalt  }
0x42: {  	_ =	shalt  }
0x43: {  	_ =	shalt  }
0x44: {  	_ =	shalt  }
0x45: {  	_ =	shalt  }
0x46: {  	_ =	shalt  }
0x47: {  	_ =	shalt  }
0x48: {  	_ =	shalt  }
0x49: {  	_ =	shalt  }
0x4a: {  	_ =	shalt  }
0x4b: {  	_ =	shalt  }
0x4c: {  	_ =	shalt  }
0x4d: {  	_ =	shalt  }
0x4e: {  	_ =	shalt  }
0x4f: {  	_ =	shalt  }
0x50: {  	_ =	shalt  }
0x51: {  	_ =	shalt  }
0x52: {  	_ =	shalt  }
0x53: {  	_ =	shalt  }
0x54: {  	_ =	shalt  }
0x55: {  	_ =	shalt  }
0x56: {  	_ =	shalt  }
0x57: {  	_ =	shalt  }
0x58: {  	_ =	shalt  }
0x59: {  	_ =	shalt  }
0x5a: {  	_ =	shalt  }
0x5b: {  	_ =	shalt  }
0x5c: {  	_ =	shalt  }
0x5d: {  	_ =	shalt  }
0x5e: {  	_ =	shalt  }
0x5f: {  	_ =	shalt  }
0x60: {  	_ =	shalt  }
0x61: {  	_ =	shalt  }
0x62: {  	_ =	shalt  }
0x63: {  	_ =	shalt  }
0x64: {  	_ =	shalt  }
0x65: {  	_ =	shalt  }
0x66: {  	_ =	shalt  }
0x67: {  	_ =	shalt  }
0x68: {  	_ =	shalt  }
0x69: {  	_ =	shalt  }
0x6a: {  	_ =	shalt  }
0x6b: {  	_ =	shalt  }
0x6c: {  	_ =	shalt  }
0x6d: {  	_ =	shalt  }
0x6e: {  	_ =	shalt  }
0x6f: {  	_ =	shalt  }
0x70: {  	_ =	shalt  }
0x71: {  	_ =	shalt  }
0x72: {  	_ =	shalt  }
0x73: {  	_ =	shalt  }
0x74: {  	_ =	shalt  }
0x75: {  	_ =	shalt  }
0x76: {  	_ =	shalt  }
0x77: {  	_ =	shalt  }
0x78: {  	_ =	shalt  }
0x79: {  	_ =	shalt  }
0x7a: {  	_ =	shalt  }
0x7b: {  	_ =	shalt  }
0x7c: {  	_ =	shalt  }
0x7d: {  	_ =	shalt  }
0x7e: {  	_ =	shalt  }
0x7f: {  	_ =	shalt  }
0x80: {  	_ =	shalt  }
0x81: {  	_ =	shalt  }
0x82: {  	_ =	shalt  }
0x83: {  	_ =	shalt  }
0x84: {  	_ =	shalt  }
0x85: {  	_ =	shalt  }
0x86: {  	_ =	shalt  }
0x87: {  	_ =	shalt  }
.Lfunc_end0:
.L_simem_size_0:
called_computation_lowered:
.L_overlay_start_0:
0x88: {  	s0 =	sld [smem:$0x3FD9]  }
0x89: {  	s1 =	sld [smem:$0x3FFE];
	_ =	sdelay $0x3  }
0x8a: {  	s0 =	sadd.s32 s1, s0  }
0x8b: {  	[smem:$0x3FC5] =	sst s0  }
0x8c: {  	_ = 	snop  }
0x8d: {  	(tm) =	ssettm $0x1  }
0x8e: {  	s15 =	sld [smem:$0x3FFB];
	_ =	sdelay $0x3  }
0x8f: {  	_ =	strace s15  }
0x90: {  	s0 =	sld [smem:$0x3FFC];
	_ =	sdelay $0x3  }
0x91: {  	_ =	strace s0  }
0x92: {  	s0 =	sld [smem:$0x3FFD];
	_ =	sdelay $0x3  }
0x93: {  	_ =	strace s0  }
0x94: {  	_ =	strace $0x8FFFFFFF  }
0x95: {  	s16 =	sld [smem:$0x3FDB];
	_ =	sdelay $0x1  }
0x96: {  	s17 =	simm.s32 $_scs_section_size  }
0x97: {  	s2 =	simm.s32 $_size__tile_overlayer_lowered;
	s3 =	simm.s32 $_tile_overlayer_lowered  }
0x98: {  	s20 =	simm.s32 $0x1BFF;
	s19 =	sshll.u32 s3, $0x1;
	s0 =	sadd.s32 s17, s16  }
0x99: {  	s4 =	simm.s32 $0x0;
	s18 =	sshll.u32 s2, $0x1;
	s2 =	sadd.s32 s19, s0  }
0x9a: {  	[timem:s4], [sflag:s20] =	dma.local [hbm:s2], s18  }
0x9b: {  	_ =	swait.ge [sflag:s20], s18  }
0x9c: {  	s1 =	ssub.s32 $0x0, s18;
	[sflag:s20] =	ssyncset.done $0x0  }
0x9d: {  	[sflag:s20] =	ssyncadd.s32 s1;
	_ =	sdelay $0x1  }
0x9e: {  	s21 =	simm.s32 $0x1B8B  }
0x9f: {  	_ =	swait.ge [sflag:s21], $0x1  }
0xa0: {  	[sflag:s21] =	ssyncset.done $0x0  }
0xa1: {  	s23 =	simm.s32 $0x1B8E;
	s22 =	sld [smem:$0x3FFE];
	[sflag:s21] =	ssyncadd.s32 $0xFFFFFFFF  }
0xa2: {  	s24 =	simm.s32 $execute0_lowered;
	[smem:$0x3FD2] =	sst s23  }
0xa3: {  	s2 =	sshll.u32 s24, $0x1;
	_ =	strace $0x80000046;
	[dreg:$0x1] =	wrdreg $0xFFFFFFFF  }
0xa4: {  	s25 =	simm.s32 $_size_execute0_lowered;
	s0 =	sadd.s32 s0, s2;
	[dreg:$0x0] =	wrdreg $0x0  }
0xa5: {  	s2 =	sshll.u32 s25, $0x1;
	[dreg:$0x2] =	wrdreg s0  }
0xa6: {  	[dreg:$0x3] =	wrdreg s2  }
0xa7: {  	[dreg:$0x4] =	wrdreg $0xC0  }
0xa8: {  	_ =	task [dreg:s4], $0x5FFFF  }
0xa9: {  	[dreg:$0x1] =	wrdreg $0xFFFFFFFF  }
0xaa: {  	[dreg:$0x0] =	wrdreg $0x60  }
0xab: {  	[dreg:$0x2] =	wrdreg s22  }
0xac: {  	[dreg:$0x3] =	wrdreg $0x9  }
0xad: {  	_ =	task.clear_ibuf [dreg:s4], $0x4FFFF;
	_ =	strace $0x90000046  }
0xae: {  	s26 =	simm.s32 $0x9;
	_ =	strace $0x80000048  }
0xaf: {  	_ =	swait.ge [sflag:s26], $0x1  }
0xb0: {  	[sflag:s26] =	ssyncadd.s32 $0xFFFFFFFF  }
0xb1: {  	_ =	strace $0x90000048  }
0xb2: {  	_ =	sfence  }
0xb3: {  	s28 =	sld [smem:$0x0];
	_ =	sdelay $0x1  }
0xb4: {  	s29 =	srdreg.scid  }
0xb5: {  	s30 =	sshll.u32 s29, $0xD;
	s31 =	sshrl.u32 s29, $0x2  }
0xb6: {  	s1 =	sand.u32 $0x1, s29;
	s2 =	sand.u32 $0x4000, s30;
	s0 =	sadd.s32 s31, s28  }
0xb7: {  	s1 =	sor.u32 s2, s1;
	s0 =	sshll.u32 s0, $0x11  }
0xb8: {  	s0 =	sor.u32 s0, s1  }
0xb9: {  	s0 =	sadd.s32 $0x8F2B, s0  }
0xba: {  	[sflag:s0] =	ssyncadd.remote.s32 $0x1  }
0xbb: {  	_ =	sfence.sel $0xFFFF  }
0xbc: {  	[dreg:$0x0] =	wrdreg $0xFFFFFFFF;
	(pc) =	sbr.abs _section_cstart, $3  }
0xbd: {  	[dreg:$0x1] =	wrdreg $0xFFFFFFFF  }
0xbe: {  	_ =	task.clear_ibuf [dreg:s4], $0x2FFFF;
	_ =	strace $0x9FFFFFFF  }
0xbf: {  	(tm) =	ssettm $0x7FFFFFFF  }
tec
execute0_lowered:
.L_overlay_start_1:
0x0: {  	(tag) =	ssettag $0x1  }
0x1: {  	s7 =	rddreg [dreg:$0x0]  }
0x2: {  	s0 =	rddreg [dreg:$0x1]  }
0x3: {  	_ =	strace $0x80000047;
	s3 =	stileid.u32;
	s4 =	simm.s32 $0x3E  }
0x4: {  	s1 =	sadd.s32 $0x31000, s7;
	p0 =	sne.s32 s3, $0x0;
	[sflag:s4] =	ssyncpa.u1 $0x0  }
0x5: {  	s30 =	smin.u32 s3, $0x9;
	s2 =	simm.s32 @!p0 $0x1C3E;
	s5 =	simm.s32 @!p0 $0x0  }
0x6: {  	[spmem:s5], [sflag:s2] =	dma.local @!p0 [hbm:s1], $0x300  }
0x7: {  	s2 =	sadd.s32 s3, s30  }
0x8: {  	p1 =	slt.u32 s3, $0x9;
	s3 =	simm.s32 $0x1C20;
	s2 =	smul.u32 $0xE10, s2  }
0x9: {  	s3 =	simm.s32 @!p1 $0xE10  }
0xa: {  	s3 =	sadd.s32 s3, s2  }
0xb: {  	s3 =	smin.u32 s3, $0x15F90  }
0xc: {  	s8 =	ssub.s32 s3, s2  }
0xd: {  	p1 =	sgt.s32 s8, $0x0  }
0xe: {  	s8 =	simm.s32 @!p1 $0x0  }
0xf: {  	s5 =	simm.s32 @!p0 $0x3E;
	s31 =	smulhi.u32 $0x91A2B3C5, s8  }
0x10: {  	_ =	swait.ge @!p0 [sflag:s5], $0x300  }
0x11: {  	s6 =	simm.s32 $0x2;
	[sflag:s5] =	ssyncset.done @!p0 $0x0;
	s9 =	sshrl.u32 s31, $0xB  }
0x12: {  	s11 =	simm.s32 $0x0;
	[sflag:s5] =	ssyncadd.s32 @!p0 $0xFFFFFD00;
	s10 =	smul.u32 $0xE10, s9  }
.Ltmp0:
0x13: {  	s5 =	sadd.s32 $0x2E00, s7;
	[bflag:$0x0] =	sbarrier.arrive $0xFFFF;
	(pc) =	sbr.rel .LBB2_1-.Ltmp0, $4  }
0x14: {  	s7 =	sadd.s32 $0x2E400, s7;
	[sflag:s4] =	ssyncpa.u1 $0x1;
	s4 =	simm.s32 $0x1  }
0x15: {  	[sflag:s4] =	ssyncpa.u1 $0x0;
	p1 =	sne.s32 s8, s10;
	s8 =	simm.s32 $0x1  }
0x16: {  	(ifvalue) =	ssetifvalue $0x1800;
	[sflag:s6] =	ssyncpa.u1 $0x0;
	s8 =	simm.s32 @!p1 $0x0  }
0x17: {  	vm0 =	vmmov $0xffff;
	s10 =	smov.u32 s2;
	s8 =	sadd.s32 s8, s9;
	s9 =	simm.s32 $0x0  }
.LBB2_5:
0x18: {  	p2 =	sne.s32 s11, s8  }
.Ltmp1:
0x19: {  	_ = 	snop;
	(pc) =	sbr.rel @!p2 .LBB2_6-.Ltmp1, $4  }
0x1a: {  	_ = 	snop  }
0x1b: {  	s12 =	sadd.s32 $0xE10, s10  }
0x1c: {  	s10 =	smov.u32 s2;
	s13 =	sadd.s32 $0x1, s11;
	p1 =	slt.s32 s12, s3  }
0x1d: {  	s11 =	smov.u32 s13;
	s10 =	smov.u32 @p1 s12  }
.LBB2_1:
0x1e: {  	p1 =	sge.u32 s11, s8  }
0x1f: {  	s12 =	sxor.u32 @!p1 $0xFFFFFFFF, s11  }
0x20: {  	s12 =	sand.u32 @!p1 $0x1, s12  }
0x21: {  	s12 =	smul.u32 @!p1 $0xE10, s12  }
0x22: {  	s13 =	sshrl.u32 @!p1 s10, $0x3  }
0x23: {  	s16 =	sand.u32 @!p1 $0x7, s10;
	s14 =	sadd.s32 @!p1 s5, s13;
	s15 =	sadd.s32 @!p1 $0x180, s12  }
0x24: {  	[tilespmem:s15], [sflag:$0x2] =	stream.linear.gather @!p1 [hbm4b:s14+s16], $0xE10, $0x38;
	[tilespmem:$0x39C0] =	vst v63  }
0x25: {  	s13 =	sadd.s32 @!p1 s7, s13;
	s12 =	sadd.s32 @!p1 $0x1DA0, s12  }
0x26: {  	[tilespmem:s12], [sflag:$0x2] =	stream.linear.gather @!p1 [hbm4b:s13+s16], $0xE10, $0x38;
	[tilespmem:$0x39C0] =	vst v63  }
0x27: {  	p1 =	seq.s32 s11, $0x0  }
.Ltmp2:
0x28: {  	_ = 	snop;
	(pc) =	sbr.rel @p1 .LBB2_5-.Ltmp2, $1  }
0x29: {  	_ =	sdelay $0x3  }
0x2a: {  	s12 =	sand.u32 $0x1, s11  }
0x2b: {  	_ =	swait.ge [sflag:s6], $0x1C20;
	p1 =	seq.s32 s12, $0x1;
	s12 =	simm.s32 $0xE10  }
0x2c: {  	[sflag:s6] =	ssyncset.done $0x0;
	s12 =	simm.s32 @!p1 $0x0  }
0x2d: {  	[sflag:s6] =	ssyncadd.s32 $0xFFFFE3E0;
	s14 =	sor.u32 $0x180, s12  }
0x2e: {  	v0 =	vld.msk [tilespmem:s14+$0x0 ss:$0x1], $0xffff;
	_ =	sdelay $0x4  }
0x2f: {  	v0 =	vmin.u32 v0, $0x1800;
	_ =	sdelay $0x3  }
0x30: {  	s13 =	simm.s32 $0x0;
	s12 =	sadd.s32 $0x1DA0, s12;
	s14 =	sadd.s32 $0x10, s14  }
0x31: {  	[spmem:s9] =	stream.indirect_vreg.scatter.add.s32 [tilespmem:s12], [sflag:$0x1], $0x1, v0, vm0, $0x4038;
	[tilespmem:$0x39C0] =	vst v63  }
.LBB2_3:
0x32: {  	v0 =	vld.msk [tilespmem:s14+$0x0 ss:$0x1], $0xffff;
	s13 =	sadd.s32 $0x10, s13  }
0x33: {  	p1 =	slt.u32 s13, $0xE00;
	_ =	sdelay $0x4  }
0x34: {  	v0 =	vmin.u32 v0, $0x1800  }
.Ltmp3:
0x35: {  	(pc) =	sbr.rel @p1 .LBB2_3-.Ltmp3, $3  }
0x36: {  	_ =	sdelay $0x1  }
0x37: {  	s14 =	sadd.s32 $0x10, s14;
	s12 =	sadd.s32 $0x10, s12  }
0x38: {  	[spmem:s9] =	stream.indirect_vreg.scatter.add.s32 [tilespmem:s12], [sflag:$0x1], $0x1, v0, vm0, $0x4038;
	[tilespmem:$0x39C0] =	vst v63  }
.Ltmp4:
0x39: {  	(pc) =	sbr.rel .LBB2_5-.Ltmp4, $4  }
0x3a: {  	_ = 	snop  }
0x3b: {  	_ =	swait.ge [sflag:s4], $0xE10  }
0x3c: {  	[sflag:s4] =	ssyncset.done $0x0  }
0x3d: {  	[sflag:s4] =	ssyncadd.s32 $0xFFFFF1F0  }
.LBB2_6:
0x3e: {  	_ =	sfence.sel $0x180000  }
0x3f: {  	s2 =	simm.s32 $0x2;
	[bflag:$0x0] =	sbarrier.arrive $0xFFFF  }
0x40: {  	s30 =	simm.s32 $0x1;
	[sflag:s2] =	ssyncpa.u1 $0x1  }
0x41: {  	[sflag:s30] =	ssyncpa.u1 $0x1  }
0x42: {  	_ =	sfence.stream.spmem  }
0x43: {  	s31 =	simm.s32 $0x3D;
	[bflag:$0x0] =	sbarrier.arrive $0xFFFF  }
0x44: {  	s2 =	simm.s32 @p0 $0x3D;
	[sflag:s31] =	ssyncpa.u1 $0x0  }
0x45: {  	[sflag:s2] =	ssyncpa.u1 @p0 $0x1  }
0x46: {  	[bflag:$0x0] =	sbarrier.arrive @p0 $0xFFFF  }
0x47: {  	_ =	strace @p0 $0x90000047  }
0x48: {  	s3 =	simm.s32 @!p0 $0x1C3D;
	s2 =	simm.s32 @!p0 $0x0;
	[bflag:$0x2] =	sbarrier.arrive @p0 $0xFFFF  }
0x49: {  	[hbm:s1], [sflag:s3] =	dma.local @!p0 [spmem:s2], $0x300  }
0x4a: {  	s1 =	simm.s32 @!p0 $0x3D  }
0x4b: {  	_ =	swait.ge @!p0 [sflag:s1], $0x300  }
0x4c: {  	[sflag:s1] =	ssyncset.done @!p0 $0x0  }
0x4d: {  	[sflag:s1] =	ssyncadd.s32 @!p0 $0xFFFFFD00  }
0x4e: {  	[sflag:s1] =	ssyncpa.u1 @!p0 $0x1  }
0x4f: {  	[bflag:$0x0] =	sbarrier.arrive @!p0 $0xFFFF  }
0x50: {  	_ =	strace @!p0 $0x90000047  }
0x51: {  	s0 =	sadd.s32 @!p0 $0x100000, s0;
	[bflag:$0x2] =	sbarrier.arrive @!p0 $0xFFFF  }
0x52: {  	[sflag:s0] =	ssyncadd.tile.s32 @!p0 $0x1;
	_ =	shalt  }
.Lfunc_end2:
_tile_overlayer_lowered:
.L_overlay_start_2:
0x53: {  	(tag) =	ssettag $0x2  }
0x54: {  	s0 =	rddreg [dreg:$0x0];
	s2 =	stileid.u32  }
0x55: {  	s1 =	rddreg [dreg:$0x1];
	p0 =	sne.s32 s2, $0x0  }
0x56: {  	s3 =	rddreg [dreg:$0x2];
	[bflag:$0x3] =	sbarrier.arrive $0xFFFF;
	s2 =	simm.s32 @!p0 $0x1C01  }
0x57: {  	[timem:s3], [sflag:s2] =	dma.local @!p0 [hbm:s0], s1  }
0x58: {  	s0 =	simm.s32 @!p0 $0x1  }
0x59: {  	_ =	swait.ge @!p0 [sflag:s0], s1  }
0x5a: {  	s1 =	ssub.s32 @!p0 $0x0, s1;
	[sflag:s0] =	ssyncset.done @!p0 $0x0  }
0x5b: {  	[sflag:s0] =	ssyncadd.s32 @!p0 s1  }
0x5c: {  	[bflag:$0x3] =	sbarrier.arrive $0xFFFF  }
0x5d: {  	_ =	shalt  }

</sc_bundles>
